<compile_context>
chip_gen: v7x
topology: tpu7x:2x2x1
jax: 0.10.2.dev20260603
libtpu: 0.0.44.dev20260713+nightly
codegen_flags: <defaults>
</compile_context>

<pallas_src>
import functools

import jax
import jax.numpy as jnp
from jax import lax
from jax.experimental import pallas as pl
from jax.experimental.pallas import tpu as pltpu
from jax.experimental.pallas import tpu_sc as plsc

BT = 256
BTT = 64
FK = 1024
SC_CORES = 2
SC_SUBCORES = 16
NW = SC_CORES * SC_SUBCORES


def _gate_body(x_ref, wg_ref, bg_ref, dest_ref, astart_ref, n256_ref,
               n64_ref):
    T, E = x_ref.shape[0], wg_ref.shape[1]
    x = x_ref[...].astype(jnp.bfloat16)
    logits = lax.dot_general(
        x, wg_ref[...].astype(jnp.bfloat16), (((1,), (0,)), ((), ())),
        preferred_element_type=jnp.float32) + bg_ref[...]
    m = jnp.max(logits, axis=1, keepdims=True)
    lane = lax.broadcasted_iota(jnp.int32, (T, E), 1)
    idx = jnp.min(jnp.where(logits == m, lane, E), axis=1, keepdims=True)
    onehot = (lane == idx).astype(jnp.float32)
    counts = jnp.sum(onehot, axis=0, keepdims=True)
    c8 = jnp.floor((counts + 7.0) * 0.125) * 8.0
    sub = lax.broadcasted_iota(jnp.int32, (E, E), 0)
    lan = lax.broadcasted_iota(jnp.int32, (E, E), 1)
    mstrict = (sub < lan).astype(jnp.float32)
    astart_all = lax.dot_general(
        jnp.broadcast_to(c8, (E, E)), mstrict, (((1,), (0,)), ((), ())),
        precision=lax.Precision.HIGHEST, preferred_element_type=jnp.float32)
    astart_row = astart_all[0:1, :]
    r_io = lax.broadcasted_iota(jnp.int32, (T, T), 0)
    c_io = lax.broadcasted_iota(jnp.int32, (T, T), 1)
    lts = (c_io < r_io).astype(jnp.bfloat16)
    ranks_all = lax.dot_general(
        lts, onehot.astype(jnp.bfloat16), (((1,), (0,)), ((), ())),
        preferred_element_type=jnp.float32)
    rank = jnp.sum(ranks_all * onehot, axis=1, keepdims=True)
    astart_sel = jnp.sum(astart_row * onehot, axis=1, keepdims=True)
    dest_ref[...] = (astart_sel + rank).astype(jnp.int32)
    astart_ref[...] = astart_row.astype(jnp.int32)
    n256_ref[...] = jnp.floor((counts + (BT - 1)) * (1.0 / BT)).astype(
        jnp.int32)
    n64_ref[...] = jnp.zeros_like(counts).astype(jnp.int32)


def _gate_call(x, Wg, bg):
    T, _ = x.shape
    E = Wg.shape[1]
    return pl.pallas_call(
        _gate_body,
        out_shape=(
            jax.ShapeDtypeStruct((T, 1), jnp.int32),
            jax.ShapeDtypeStruct((1, E), jnp.int32),
            jax.ShapeDtypeStruct((1, E), jnp.int32),
            jax.ShapeDtypeStruct((1, E), jnp.int32),
        ),
    )(x, Wg, bg.reshape(1, E))


def _mlp_body(astart_sm, n256_sm, n64_sm, xs_ref, w1_hbm, w2_hbm, b1_ref,
              b2_ref, ys_ref, w1b, w2b, sems):
    E, FT = pl.num_programs(0), pl.num_programs(1)
    e = pl.program_id(0)
    fk = pl.program_id(1)
    t = e * FT + fk
    slot = lax.rem(t, 2)
    nslot = 1 - slot

    D = w1b.shape[1]
    DH = D // 2

    def copies(step, buf_slot):
        en = step // FT
        fkn = lax.rem(step, FT)
        return [
            pltpu.make_async_copy(
                w1_hbm.at[en, pl.ds(0, DH), pl.ds(fkn * FK, FK)],
                w1b.at[buf_slot, pl.ds(0, DH)], sems.at[buf_slot, 0]),
            pltpu.make_async_copy(
                w1_hbm.at[en, pl.ds(DH, DH), pl.ds(fkn * FK, FK)],
                w1b.at[buf_slot, pl.ds(DH, DH)], sems.at[buf_slot, 1]),
            pltpu.make_async_copy(
                w2_hbm.at[en, pl.ds(fkn * FK, FK // 2), :],
                w2b.at[buf_slot, pl.ds(0, FK // 2)], sems.at[buf_slot, 2]),
            pltpu.make_async_copy(
                w2_hbm.at[en, pl.ds(fkn * FK + FK // 2, FK // 2), :],
                w2b.at[buf_slot, pl.ds(FK // 2, FK // 2)],
                sems.at[buf_slot, 3]),
        ]

    def start_copies(step, buf_slot):
        for c in copies(step, buf_slot):
            c.start()

    def wait_copies(step, buf_slot):
        for c in copies(step, buf_slot):
            c.wait()

    @pl.when(t == 0)
    def _():
        start_copies(0, 0)

    @pl.when(t < E * FT - 1)
    def _():
        start_copies(t + 1, nslot)

    wait_copies(t, slot)

    a0 = astart_sm[e]
    n256 = n256_sm[e]
    n64 = n64_sm[e]
    w1 = w1b[slot]
    w2 = w2b[slot]
    b1 = b1_ref[0, 0]
    b2 = b2_ref[0, 0]

    def make_chunk(bt):
        def chunk_at(r0):
            xc = xs_ref[pl.ds(r0, bt), :]
            h = jnp.dot(xc, w1, preferred_element_type=jnp.float32)
            h = jnp.maximum(h + b1[None, :], 0.0)
            yc = jnp.dot(h, w2, preferred_element_type=jnp.float32)

            @pl.when(fk == 0)
            def _():
                ys_ref[pl.ds(r0, bt), :] = yc + b2[None, :]

            @pl.when(fk != 0)
            def _():
                ys_ref[pl.ds(r0, bt), :] = ys_ref[pl.ds(r0, bt), :] + yc

        return chunk_at

    main_chunk = make_chunk(BT)

    def main_body(j, carry):
        main_chunk(pl.multiple_of(a0 + j * BT, 8))
        return carry

    lax.fori_loop(0, n256, main_body, 0)
    del n64


def _mlp_call(astart, n256, n64, xs, W1, b1, W2, b2):
    E, D, F = W1.shape
    S = xs.shape[0]
    grid = (E, F // FK)
    grid_spec = pltpu.PrefetchScalarGridSpec(
        num_scalar_prefetch=3,
        grid=grid,
        in_specs=[
            pl.BlockSpec((S, D), lambda e, fk, *_: (0, 0)),
            pl.BlockSpec(memory_space=pltpu.MemorySpace.HBM),
            pl.BlockSpec(memory_space=pltpu.MemorySpace.HBM),
            pl.BlockSpec((1, 1, FK), lambda e, fk, *_: (e, 0, fk)),
            pl.BlockSpec((1, 1, D), lambda e, fk, *_: (e, 0, 0)),
        ],
        out_specs=pl.BlockSpec((S, D), lambda e, fk, *_: (0, 0)),
        scratch_shapes=[
            pltpu.VMEM((2, D, FK), jnp.float32),
            pltpu.VMEM((2, FK, D), jnp.float32),
            pltpu.SemaphoreType.DMA((2, 4)),
        ],
    )
    return pl.pallas_call(
        _mlp_body,
        grid_spec=grid_spec,
        out_shape=jax.ShapeDtypeStruct((S, D), jnp.float32),
        compiler_params=pltpu.CompilerParams(
            dimension_semantics=("arbitrary", "arbitrary")),
    )(astart, n256, n64, xs, W1, W2, b1.reshape(E, 1, F),
      b2.reshape(E, 1, D))


def _sc_scatter_call(x, dest, S):
    T, D = x.shape
    bpw = T // NW
    mesh = plsc.VectorSubcoreMesh(core_axis_name="c", subcore_axis_name="s")

    @functools.partial(
        pl.kernel, mesh=mesh,
        out_type=jax.ShapeDtypeStruct((S, D), jnp.float32),
        scratch_types=[
            pltpu.VMEM((bpw,), jnp.int32),
            pltpu.VMEM((bpw, D), jnp.float32),
            pltpu.SemaphoreType.DMA,
        ])
    def scatter_kernel(x_hbm, dest_hbm, xs_hbm, idx_v, rows_v, sem):
        wid = lax.axis_index("s") * SC_CORES + lax.axis_index("c")
        base = wid * bpw
        pltpu.sync_copy(dest_hbm.at[pl.ds(base, bpw)], idx_v)
        pltpu.sync_copy(x_hbm.at[pl.ds(base, bpw)], rows_v)
        pltpu.async_copy(rows_v, xs_hbm.at[idx_v], sem).wait()

    return scatter_kernel(x, dest)


def _sc_gather_call(ys, dest, T):
    S, D = ys.shape
    bpw = T // NW
    mesh = plsc.VectorSubcoreMesh(core_axis_name="c", subcore_axis_name="s")

    @functools.partial(
        pl.kernel, mesh=mesh,
        out_type=jax.ShapeDtypeStruct((T, D), jnp.float32),
        scratch_types=[
            pltpu.VMEM((bpw,), jnp.int32),
            pltpu.VMEM((bpw, D), jnp.float32),
            pltpu.SemaphoreType.DMA,
        ])
    def gather_kernel(ys_hbm, dest_hbm, out_hbm, idx_v, rows_v, sem):
        wid = lax.axis_index("s") * SC_CORES + lax.axis_index("c")
        base = wid * bpw
        pltpu.sync_copy(dest_hbm.at[pl.ds(base, bpw)], idx_v)
        pltpu.async_copy(ys_hbm.at[idx_v], rows_v, sem).wait()
        pltpu.sync_copy(rows_v, out_hbm.at[pl.ds(base, bpw)])

    return gather_kernel(ys, dest)


def kernel(x, Wg, bg, W1, b1, W2, b2):
    T, D = x.shape
    E = Wg.shape[1]
    S = (T + (E - 1) * 7 + BT - 1 + 7) // 8 * 8
    dest2d, astart, n256, n64 = _gate_call(x, Wg, bg)
    dest = dest2d.reshape(T)
    xs = _sc_scatter_call(x, dest, S)
    ys = _mlp_call(astart.reshape(E), n256.reshape(E), n64.reshape(E),
                   xs, W1, b1, W2, b2)
    return _sc_gather_call(ys, dest, T)

# --- scband reference (transcript-rebuilt; emitter-appended) ---
"""Pipeline reference for scband-experts-model-17523466568300 (READ-ONLY COPY).

The authoritative reference and input builder live on the scoring server;
editing this copy changes nothing except your own understanding.
"""

import jax, jax.numpy as jnp
import numpy as np

T = 2048   # tokens (batch*seq)
D = 1024   # d_model
F = 4096   # d_ff
E = 8      # num_experts = 2**(len(modules)-1) = 2**3


def setup_inputs(seed: int = 0) -> dict:
    key = jax.random.key(seed)
    k0, k1, k2, k3 = jax.random.split(key, 4)
    x = jax.random.normal(k0, (T, D), dtype=jnp.float32)
    # gate: Linear(D, E)
    Wg = jax.random.normal(k1, (D, E), dtype=jnp.float32) * 0.02
    bg = jnp.zeros((E,), dtype=jnp.float32)
    # per-expert MLP: Linear(D,F) -> ReLU -> Linear(F,D) -> Identity
    W1 = jax.random.normal(k2, (E, D, F), dtype=jnp.float32) * 0.02
    b1 = jnp.zeros((E, F), dtype=jnp.float32)
    W2 = jax.random.normal(k3, (E, F, D), dtype=jnp.float32) * 0.02
    b2 = jnp.zeros((E, D), dtype=jnp.float32)
    return {"x": x, "Wg": Wg, "bg": bg, "W1": W1, "b1": b1, "W2": W2, "b2": b2}


def reference(x, Wg, bg, W1, b1, W2, b2):
    # gate_output = torch.max(self.gate(x), dim=1).indices  -> argmax over experts
    logits = x @ Wg + bg                      # [T, E]
    idx = jnp.argmax(logits, axis=1)          # [T] expert index per token
    # outputs[i] = expert_{idx[i]}(x[i]); compute all experts then select (same math)
    h = jax.nn.relu(jnp.einsum('td,edf->etf', x, W1) + b1[:, None, :])   # [E, T, F]
    y = jnp.einsum('etf,efd->etd', h, W2) + b2[:, None, :]               # [E, T, D]
    out = y[idx, jnp.arange(T)]               # [T, D]  select per-token expert output
    # end is None -> no trailing module
    return out

if __name__ == "__main__":
    import jax
    _d = setup_inputs()
    print(jax.jit(kernel)(*tuple(_d.values())))

</pallas_src>

<mosaic_0001>
#map = affine_map<(d0, d1) -> (0, 0)>
#map1 = affine_map<(d0, d1) -> (0)>
module attributes {stable_mosaic.version = 14 : i64} {
  func.func @gather_kernel(%arg0: i32, %arg1: i32, %arg2: memref<2352x1024xf32, #tpu.memory_space<hbm>>, %arg3: memref<2048xi32, #tpu.memory_space<hbm>>, %arg4: memref<2048x1024xf32, #tpu.memory_space<hbm>>, %arg5: memref<64xi32, #tpu.memory_space<vmem>>, %arg6: memref<64x1024xf32, #tpu.memory_space<vmem>>, %arg7: memref<!tpu.dma_semaphore, #tpu.memory_space<semaphore_mem>>) attributes {dimension_semantics = [#tpu.dimension_semantics<core_parallel>, #tpu.dimension_semantics<subcore_parallel>], iteration_bounds = array<i64: 2, 16>, scalar_prefetch = 0 : i64, scratch_operands = 3 : i64, tpu.core_type = #tpu.core_type<sc_vector_subcore>, window_params = [{transform_indices = #map}, {transform_indices = #map1}, {transform_indices = #map}]} {
    %mul3A = arith.constant 2 : i32
    %mul3A_0 = arith.muli %arg1, %mul3A : i32
    %add3A = arith.addi %mul3A_0, %arg0 : i32
    %mul3A_1 = arith.constant 64 : i32
    %mul3A_2 = arith.muli %add3A, %mul3A_1 : i32
    "tpu.region"() ({
      %run_scoped3A = tpu.sem_alloc : memref<!tpu.dma_semaphore, #tpu.memory_space<semaphore_mem>>
      %dma_start3A_7 = tpu.memref_slice %arg3[%mul3A_2] : memref<2048xi32, #tpu.memory_space<hbm>> -> memref<64xi32, #tpu.memory_space<hbm>>
      %dma_start3A_8 = tpu.memref_slice %arg3[%mul3A_2] : memref<2048xi32, #tpu.memory_space<hbm>> -> memref<64xi32, #tpu.memory_space<hbm>>
      tpu.enqueue_dma source(%dma_start3A_8 : memref<64xi32, #tpu.memory_space<hbm>>) target(%arg5 : memref<64xi32, #tpu.memory_space<vmem>>) target_semaphore(%run_scoped3A : memref<!tpu.dma_semaphore, #tpu.memory_space<semaphore_mem>>)
      %dma_wait3A_9 = tpu.memref_slice %arg3[%mul3A_2] : memref<2048xi32, #tpu.memory_space<hbm>> -> memref<64xi32, #tpu.memory_space<hbm>>
      %dma_wait3A_10 = tpu.memref_slice %arg3[%mul3A_2] : memref<2048xi32, #tpu.memory_space<hbm>> -> memref<64xi32, #tpu.memory_space<hbm>>
      tpu.wait_dma2 semaphore(%run_scoped3A : memref<!tpu.dma_semaphore, #tpu.memory_space<semaphore_mem>>) src(%dma_wait3A_10 : memref<64xi32, #tpu.memory_space<hbm>>) dst(%arg5 : memref<64xi32, #tpu.memory_space<vmem>>)
      tpu.yield
    }) : () -> ()
    %dma_start3A = arith.constant 0 : i32
    %dma_start3A_3 = arith.constant 0 : i32
    %dma_start3A_4 = tpu.memref_slice %arg2[%dma_start3A, %dma_start3A_3] : memref<2352x1024xf32, #tpu.memory_space<hbm>> -> memref<2352x1024xf32, #tpu.memory_space<hbm>>
    tpu.enqueue_indirect_dma source(%dma_start3A_4 : memref<2352x1024xf32, #tpu.memory_space<hbm>>) target(%arg6 : memref<64x1024xf32, #tpu.memory_space<vmem>>) offsets(%arg5 : memref<64xi32, #tpu.memory_space<vmem>>) semaphore(%arg7 : memref<!tpu.dma_semaphore, #tpu.memory_space<semaphore_mem>>)
    %dma_wait3A = arith.constant 0 : i32
    %dma_wait3A_5 = arith.constant 0 : i32
    %dma_wait3A_6 = tpu.memref_slice %arg2[%dma_wait3A, %dma_wait3A_5] : memref<2352x1024xf32, #tpu.memory_space<hbm>> -> memref<2352x1024xf32, #tpu.memory_space<hbm>>
    tpu.wait_indirect_dma semaphore(%arg7 : memref<!tpu.dma_semaphore, #tpu.memory_space<semaphore_mem>>) src(%dma_wait3A_6 : memref<2352x1024xf32, #tpu.memory_space<hbm>>) dst(%arg6 : memref<64x1024xf32, #tpu.memory_space<vmem>>)
    "tpu.region"() ({
      %run_scoped3A = tpu.sem_alloc : memref<!tpu.dma_semaphore, #tpu.memory_space<semaphore_mem>>
      %dma_start3A_7 = arith.constant 0 : i32
      %dma_start3A_8 = tpu.memref_slice %arg4[%mul3A_2, %dma_start3A_7] : memref<2048x1024xf32, #tpu.memory_space<hbm>> -> memref<64x1024xf32, #tpu.memory_space<hbm>>
      %dma_start3A_9 = arith.constant 0 : i32
      %dma_start3A_10 = tpu.memref_slice %arg4[%mul3A_2, %dma_start3A_9] : memref<2048x1024xf32, #tpu.memory_space<hbm>> -> memref<64x1024xf32, #tpu.memory_space<hbm>>
      tpu.enqueue_dma source(%arg6 : memref<64x1024xf32, #tpu.memory_space<vmem>>) target(%dma_start3A_10 : memref<64x1024xf32, #tpu.memory_space<hbm>>) target_semaphore(%run_scoped3A : memref<!tpu.dma_semaphore, #tpu.memory_space<semaphore_mem>>)
      %dma_wait3A_11 = arith.constant 0 : i32
      %dma_wait3A_12 = tpu.memref_slice %arg4[%mul3A_2, %dma_wait3A_11] : memref<2048x1024xf32, #tpu.memory_space<hbm>> -> memref<64x1024xf32, #tpu.memory_space<hbm>>
      %dma_wait3A_13 = arith.constant 0 : i32
      %dma_wait3A_14 = tpu.memref_slice %arg4[%mul3A_2, %dma_wait3A_13] : memref<2048x1024xf32, #tpu.memory_space<hbm>> -> memref<64x1024xf32, #tpu.memory_space<hbm>>
      tpu.wait_dma2 semaphore(%run_scoped3A : memref<!tpu.dma_semaphore, #tpu.memory_space<semaphore_mem>>) src(%arg6 : memref<64x1024xf32, #tpu.memory_space<vmem>>) dst(%dma_wait3A_14 : memref<64x1024xf32, #tpu.memory_space<hbm>>)
      tpu.yield
    }) : () -> ()
    return
  }
}

#map = affine_map<(d0, d1) -> (0, 0)>
#map1 = affine_map<(d0, d1) -> (0)>
module attributes {stable_mosaic.version = 14 : i64} {
  func.func @scatter_kernel(%arg0: i32, %arg1: i32, %arg2: memref<2048x1024xf32, #tpu.memory_space<hbm>>, %arg3: memref<2048xi32, #tpu.memory_space<hbm>>, %arg4: memref<2352x1024xf32, #tpu.memory_space<hbm>>, %arg5: memref<64xi32, #tpu.memory_space<vmem>>, %arg6: memref<64x1024xf32, #tpu.memory_space<vmem>>, %arg7: memref<!tpu.dma_semaphore, #tpu.memory_space<semaphore_mem>>) attributes {dimension_semantics = [#tpu.dimension_semantics<core_parallel>, #tpu.dimension_semantics<subcore_parallel>], iteration_bounds = array<i64: 2, 16>, scalar_prefetch = 0 : i64, scratch_operands = 3 : i64, tpu.core_type = #tpu.core_type<sc_vector_subcore>, window_params = [{transform_indices = #map}, {transform_indices = #map1}, {transform_indices = #map}]} {
    %mul3A = arith.constant 2 : i32
    %mul3A_0 = arith.muli %arg1, %mul3A : i32
    %add3A = arith.addi %mul3A_0, %arg0 : i32
    %mul3A_1 = arith.constant 64 : i32
    %mul3A_2 = arith.muli %add3A, %mul3A_1 : i32
    "tpu.region"() ({
      %run_scoped3A = tpu.sem_alloc : memref<!tpu.dma_semaphore, #tpu.memory_space<semaphore_mem>>
      %dma_start3A_7 = tpu.memref_slice %arg3[%mul3A_2] : memref<2048xi32, #tpu.memory_space<hbm>> -> memref<64xi32, #tpu.memory_space<hbm>>
      %dma_start3A_8 = tpu.memref_slice %arg3[%mul3A_2] : memref<2048xi32, #tpu.memory_space<hbm>> -> memref<64xi32, #tpu.memory_space<hbm>>
      tpu.enqueue_dma source(%dma_start3A_8 : memref<64xi32, #tpu.memory_space<hbm>>) target(%arg5 : memref<64xi32, #tpu.memory_space<vmem>>) target_semaphore(%run_scoped3A : memref<!tpu.dma_semaphore, #tpu.memory_space<semaphore_mem>>)
      %dma_wait3A_9 = tpu.memref_slice %arg3[%mul3A_2] : memref<2048xi32, #tpu.memory_space<hbm>> -> memref<64xi32, #tpu.memory_space<hbm>>
      %dma_wait3A_10 = tpu.memref_slice %arg3[%mul3A_2] : memref<2048xi32, #tpu.memory_space<hbm>> -> memref<64xi32, #tpu.memory_space<hbm>>
      tpu.wait_dma2 semaphore(%run_scoped3A : memref<!tpu.dma_semaphore, #tpu.memory_space<semaphore_mem>>) src(%dma_wait3A_10 : memref<64xi32, #tpu.memory_space<hbm>>) dst(%arg5 : memref<64xi32, #tpu.memory_space<vmem>>)
      tpu.yield
    }) : () -> ()
    "tpu.region"() ({
      %run_scoped3A = tpu.sem_alloc : memref<!tpu.dma_semaphore, #tpu.memory_space<semaphore_mem>>
      %dma_start3A_7 = arith.constant 0 : i32
      %dma_start3A_8 = tpu.memref_slice %arg2[%mul3A_2, %dma_start3A_7] : memref<2048x1024xf32, #tpu.memory_space<hbm>> -> memref<64x1024xf32, #tpu.memory_space<hbm>>
      %dma_start3A_9 = arith.constant 0 : i32
      %dma_start3A_10 = tpu.memref_slice %arg2[%mul3A_2, %dma_start3A_9] : memref<2048x1024xf32, #tpu.memory_space<hbm>> -> memref<64x1024xf32, #tpu.memory_space<hbm>>
      tpu.enqueue_dma source(%dma_start3A_10 : memref<64x1024xf32, #tpu.memory_space<hbm>>) target(%arg6 : memref<64x1024xf32, #tpu.memory_space<vmem>>) target_semaphore(%run_scoped3A : memref<!tpu.dma_semaphore, #tpu.memory_space<semaphore_mem>>)
      %dma_wait3A_11 = arith.constant 0 : i32
      %dma_wait3A_12 = tpu.memref_slice %arg2[%mul3A_2, %dma_wait3A_11] : memref<2048x1024xf32, #tpu.memory_space<hbm>> -> memref<64x1024xf32, #tpu.memory_space<hbm>>
      %dma_wait3A_13 = arith.constant 0 : i32
      %dma_wait3A_14 = tpu.memref_slice %arg2[%mul3A_2, %dma_wait3A_13] : memref<2048x1024xf32, #tpu.memory_space<hbm>> -> memref<64x1024xf32, #tpu.memory_space<hbm>>
      tpu.wait_dma2 semaphore(%run_scoped3A : memref<!tpu.dma_semaphore, #tpu.memory_space<semaphore_mem>>) src(%dma_wait3A_14 : memref<64x1024xf32, #tpu.memory_space<hbm>>) dst(%arg6 : memref<64x1024xf32, #tpu.memory_space<vmem>>)
      tpu.yield
    }) : () -> ()
    %dma_start3A = arith.constant 0 : i32
    %dma_start3A_3 = arith.constant 0 : i32
    %dma_start3A_4 = tpu.memref_slice %arg4[%dma_start3A, %dma_start3A_3] : memref<2352x1024xf32, #tpu.memory_space<hbm>> -> memref<2352x1024xf32, #tpu.memory_space<hbm>>
    tpu.enqueue_indirect_dma source(%arg6 : memref<64x1024xf32, #tpu.memory_space<vmem>>) target(%dma_start3A_4 : memref<2352x1024xf32, #tpu.memory_space<hbm>>) offsets(%arg5 : memref<64xi32, #tpu.memory_space<vmem>>) semaphore(%arg7 : memref<!tpu.dma_semaphore, #tpu.memory_space<semaphore_mem>>)
    %dma_wait3A = arith.constant 0 : i32
    %dma_wait3A_5 = arith.constant 0 : i32
    %dma_wait3A_6 = tpu.memref_slice %arg4[%dma_wait3A, %dma_wait3A_5] : memref<2352x1024xf32, #tpu.memory_space<hbm>> -> memref<2352x1024xf32, #tpu.memory_space<hbm>>
    tpu.wait_indirect_dma semaphore(%arg7 : memref<!tpu.dma_semaphore, #tpu.memory_space<semaphore_mem>>) src(%arg6 : memref<64x1024xf32, #tpu.memory_space<vmem>>) dst(%dma_wait3A_6 : memref<2352x1024xf32, #tpu.memory_space<hbm>>)
    return
  }
}

module attributes {stable_mosaic.version = 14 : i64} {
  func.func @_gate_body(%arg0: memref<2048x1024xf32, #tpu.memory_space<vmem>>, %arg1: memref<1024x8xf32, #tpu.memory_space<vmem>>, %arg2: memref<1x8xf32, #tpu.memory_space<vmem>>, %arg3: memref<2048x1xi32, #tpu.memory_space<vmem>>, %arg4: memref<1x8xi32, #tpu.memory_space<vmem>>, %arg5: memref<1x8xi32, #tpu.memory_space<vmem>>, %arg6: memref<1x8xi32, #tpu.memory_space<vmem>>) attributes {dimension_semantics = [], scalar_prefetch = 0 : i64, scratch_operands = 0 : i64, tpu.core_type = #tpu.core_type<tc>} {
    %get3A = arith.constant 0 : index
    %get3A_0 = arith.constant 0 : index
    %get3A_1 = vector.load %arg0[%get3A, %get3A_0] : memref<2048x1024xf32, #tpu.memory_space<vmem>>, vector<2048x1024xf32>
    %convert_element_type3A = arith.truncf %get3A_1 : vector<2048x1024xf32> to vector<2048x1024xbf16>
    %get3A_2 = arith.constant 0 : index
    %get3A_3 = arith.constant 0 : index
    %get3A_4 = vector.load %arg1[%get3A_2, %get3A_3] : memref<1024x8xf32, #tpu.memory_space<vmem>>, vector<1024x8xf32>
    %convert_element_type3A_5 = arith.truncf %get3A_4 : vector<1024x8xf32> to vector<1024x8xbf16>
    %dot_general3A = arith.constant dense<0.000000e+00> : vector<2048x8xf32>
    %dot_general3A_6 = tpu.matmul %convert_element_type3A, %convert_element_type3A_5, %dot_general3A {dimension_numbers = #tpu.dot_dimension_numbers<[1], [0], [0], [1], [0, 0, 1, 1], [], []>, transpose_lhs_hint = false} : vector<2048x1024xbf16>, vector<1024x8xbf16>, vector<2048x8xf32> -> vector<2048x8xf32>
    %get3A_7 = arith.constant 0 : index
    %get3A_8 = arith.constant 0 : index
    %get3A_9 = vector.load %arg2[%get3A_7, %get3A_8] : memref<1x8xf32, #tpu.memory_space<vmem>>, vector<1x8xf32>
    %add3A = vector.broadcast %get3A_9 : vector<1x8xf32> to vector<2048x8xf32>
    %add3A_10 = arith.addf %dot_general3A_6, %add3A : vector<2048x8xf32>
    %reduce_max3A = arith.constant dense<0xFF800000> : vector<2048xf32>
    %reduce_max3A_11 = vector.multi_reduction <maximumf>, %add3A_10, %reduce_max3A [1] : vector<2048x8xf32> to vector<2048xf32>
    %broadcast_in_dim3A = vector.shape_cast %reduce_max3A_11 : vector<2048xf32> to vector<2048x1xf32>
    %iota3A = tpu.iota {dimensions = array<i32: 1>} : vector<2048x8xi32>
    %eq3A = vector.broadcast %broadcast_in_dim3A : vector<2048x1xf32> to vector<2048x8xf32>
    %eq3A_12 = arith.cmpf oeq, %add3A_10, %eq3A : vector<2048x8xf32>
    %jit3A = arith.constant 8 : i32
    %broadcast_in_dim3A_13 = vector.broadcast %jit3A : i32 to vector<2048x8xi32>
    %select_n3A = arith.select %eq3A_12, %iota3A, %broadcast_in_dim3A_13 : vector<2048x8xi1>, vector<2048x8xi32>
    %reduce_min3A = arith.constant dense<2147483647> : vector<2048xi32>
    %reduce_min3A_14 = vector.multi_reduction <minsi>, %select_n3A, %reduce_min3A [1] : vector<2048x8xi32> to vector<2048xi32>
    %broadcast_in_dim3A_15 = vector.shape_cast %reduce_min3A_14 : vector<2048xi32> to vector<2048x1xi32>
    %eq3A_16 = vector.broadcast %broadcast_in_dim3A_15 : vector<2048x1xi32> to vector<2048x8xi32>
    %eq3A_17 = arith.cmpi eq, %iota3A, %eq3A_16 : vector<2048x8xi32>
    %convert_element_type3A_18 = arith.extui %eq3A_17 : vector<2048x8xi1> to vector<2048x8xi32>
    %convert_element_type3A_19 = arith.sitofp %convert_element_type3A_18 : vector<2048x8xi32> to vector<2048x8xf32>
    %reduce_sum3A = arith.constant dense<0.000000e+00> : vector<8xf32>
    %reduce_sum3A_20 = vector.multi_reduction <add>, %convert_element_type3A_19, %reduce_sum3A [0] : vector<2048x8xf32> to vector<8xf32>
    %broadcast_in_dim3A_21 = vector.shape_cast %reduce_sum3A_20 : vector<8xf32> to vector<1x8xf32>
    %add3A_22 = arith.constant 7.000000e+00 : f32
    %add3A_23 = vector.broadcast %add3A_22 : f32 to vector<1x8xf32>
    %add3A_24 = arith.addf %broadcast_in_dim3A_21, %add3A_23 : vector<1x8xf32>
    %mul3A = arith.constant 1.250000e-01 : f32
    %mul3A_25 = vector.broadcast %mul3A : f32 to vector<1x8xf32>
    %mul3A_26 = arith.mulf %add3A_24, %mul3A_25 : vector<1x8xf32>
    %floor3A = math.floor %mul3A_26 : vector<1x8xf32>
    %mul3A_27 = arith.constant 8.000000e+00 : f32
    %mul3A_28 = vector.broadcast %mul3A_27 : f32 to vector<1x8xf32>
    %mul3A_29 = arith.mulf %floor3A, %mul3A_28 : vector<1x8xf32>
    %iota3A_30 = tpu.iota {dimensions = array<i32: 0>} : vector<8x8xi32>
    %iota3A_31 = tpu.iota {dimensions = array<i32: 1>} : vector<8x8xi32>
    %lt3A = arith.cmpi slt, %iota3A_30, %iota3A_31 : vector<8x8xi32>
    %convert_element_type3A_32 = arith.extui %lt3A : vector<8x8xi1> to vector<8x8xi32>
    %convert_element_type3A_33 = arith.sitofp %convert_element_type3A_32 : vector<8x8xi32> to vector<8x8xf32>
    %broadcast_in_dim3A_34 = vector.shape_cast %mul3A_29 : vector<1x8xf32> to vector<1x8xf32>
    %broadcast_in_dim3A_35 = vector.broadcast %broadcast_in_dim3A_34 : vector<1x8xf32> to vector<8x8xf32>
    %dot_general3A_36 = arith.constant dense<0.000000e+00> : vector<8x8xf32>
    %dot_general3A_37 = tpu.matmul %broadcast_in_dim3A_35, %convert_element_type3A_33, %dot_general3A_36 {dimension_numbers = #tpu.dot_dimension_numbers<[1], [0], [0], [1], [0, 0, 1, 1], [], []>, precision = #tpu.contract_precision<fp32>, transpose_lhs_hint = false} : vector<8x8xf32>, vector<8x8xf32>, vector<8x8xf32> -> vector<8x8xf32>
    %slice3A = vector.extract_strided_slice %dot_general3A_37 {offsets = [0, 0], sizes = [1, 8], strides = [1, 1]} : vector<8x8xf32> to vector<1x8xf32>
    %iota3A_38 = tpu.iota {dimensions = array<i32: 0>} : vector<2048x2048xi32>
    %iota3A_39 = tpu.iota {dimensions = array<i32: 1>} : vector<2048x2048xi32>
    %lt3A_40 = arith.cmpi slt, %iota3A_39, %iota3A_38 : vector<2048x2048xi32>
    %convert_element_type3A_41 = arith.extui %lt3A_40 : vector<2048x2048xi1> to vector<2048x2048xi32>
    %convert_element_type3A_42 = arith.sitofp %convert_element_type3A_41 : vector<2048x2048xi32> to vector<2048x2048xf32>
    %convert_element_type3A_43 = arith.truncf %convert_element_type3A_42 : vector<2048x2048xf32> to vector<2048x2048xbf16>
    %convert_element_type3A_44 = arith.truncf %convert_element_type3A_19 : vector<2048x8xf32> to vector<2048x8xbf16>
    %dot_general3A_45 = arith.constant dense<0.000000e+00> : vector<2048x8xf32>
    %dot_general3A_46 = tpu.matmul %convert_element_type3A_43, %convert_element_type3A_44, %dot_general3A_45 {dimension_numbers = #tpu.dot_dimension_numbers<[1], [0], [0], [1], [0, 0, 1, 1], [], []>, transpose_lhs_hint = false} : vector<2048x2048xbf16>, vector<2048x8xbf16>, vector<2048x8xf32> -> vector<2048x8xf32>
    %mul3A_47 = arith.mulf %dot_general3A_46, %convert_element_type3A_19 : vector<2048x8xf32>
    %reduce_sum3A_48 = arith.constant dense<0.000000e+00> : vector<2048xf32>
    %reduce_sum3A_49 = vector.multi_reduction <add>, %mul3A_47, %reduce_sum3A_48 [1] : vector<2048x8xf32> to vector<2048xf32>
    %broadcast_in_dim3A_50 = vector.shape_cast %reduce_sum3A_49 : vector<2048xf32> to vector<2048x1xf32>
    %mul3A_51 = vector.broadcast %slice3A : vector<1x8xf32> to vector<2048x8xf32>
    %mul3A_52 = arith.mulf %mul3A_51, %convert_element_type3A_19 : vector<2048x8xf32>
    %reduce_sum3A_53 = arith.constant dense<0.000000e+00> : vector<2048xf32>
    %reduce_sum3A_54 = vector.multi_reduction <add>, %mul3A_52, %reduce_sum3A_53 [1] : vector<2048x8xf32> to vector<2048xf32>
    %broadcast_in_dim3A_55 = vector.shape_cast %reduce_sum3A_54 : vector<2048xf32> to vector<2048x1xf32>
    %add3A_56 = arith.addf %broadcast_in_dim3A_55, %broadcast_in_dim3A_50 : vector<2048x1xf32>
    %convert_element_type3A_57 = arith.fptosi %add3A_56 : vector<2048x1xf32> to vector<2048x1xi32>
    %swap3A = arith.constant 0 : index
    %swap3A_58 = arith.constant 0 : index
    %swap3A_59 = vector.load %arg3[%swap3A, %swap3A_58] : memref<2048x1xi32, #tpu.memory_space<vmem>>, vector<2048x1xi32>
    tpu.vector_store %arg3[%swap3A, %swap3A_58], %convert_element_type3A_57 {strides = array<i32>} : memref<2048x1xi32, #tpu.memory_space<vmem>>, vector<2048x1xi32>,
    %convert_element_type3A_60 = arith.fptosi %slice3A : vector<1x8xf32> to vector<1x8xi32>
    %swap3A_61 = arith.constant 0 : index
    %swap3A_62 = arith.constant 0 : index
    %swap3A_63 = vector.load %arg4[%swap3A_61, %swap3A_62] : memref<1x8xi32, #tpu.memory_space<vmem>>, vector<1x8xi32>
    tpu.vector_store %arg4[%swap3A_61, %swap3A_62], %convert_element_type3A_60 {strides = array<i32>} : memref<1x8xi32, #tpu.memory_space<vmem>>, vector<1x8xi32>,
    %add3A_64 = arith.constant 2.550000e+02 : f32
    %add3A_65 = vector.broadcast %add3A_64 : f32 to vector<1x8xf32>
    %add3A_66 = arith.addf %broadcast_in_dim3A_21, %add3A_65 : vector<1x8xf32>
    %mul3A_67 = arith.constant 3.906250e-03 : f32
    %mul3A_68 = vector.broadcast %mul3A_67 : f32 to vector<1x8xf32>
    %mul3A_69 = arith.mulf %add3A_66, %mul3A_68 : vector<1x8xf32>
    %floor3A_70 = math.floor %mul3A_69 : vector<1x8xf32>
    %convert_element_type3A_71 = arith.fptosi %floor3A_70 : vector<1x8xf32> to vector<1x8xi32>
    %swap3A_72 = arith.constant 0 : index
    %swap3A_73 = arith.constant 0 : index
    %swap3A_74 = vector.load %arg5[%swap3A_72, %swap3A_73] : memref<1x8xi32, #tpu.memory_space<vmem>>, vector<1x8xi32>
    tpu.vector_store %arg5[%swap3A_72, %swap3A_73], %convert_element_type3A_71 {strides = array<i32>} : memref<1x8xi32, #tpu.memory_space<vmem>>, vector<1x8xi32>,
    %broadcast_in_dim3A_75 = arith.constant 0.000000e+00 : f32
    %broadcast_in_dim3A_76 = vector.broadcast %broadcast_in_dim3A_75 : f32 to vector<1x8xf32>
    %convert_element_type3A_77 = arith.fptosi %broadcast_in_dim3A_76 : vector<1x8xf32> to vector<1x8xi32>
    %swap3A_78 = arith.constant 0 : index
    %swap3A_79 = arith.constant 0 : index
    %swap3A_80 = vector.load %arg6[%swap3A_78, %swap3A_79] : memref<1x8xi32, #tpu.memory_space<vmem>>, vector<1x8xi32>
    tpu.vector_store %arg6[%swap3A_78, %swap3A_79], %convert_element_type3A_77 {strides = array<i32>} : memref<1x8xi32, #tpu.memory_space<vmem>>, vector<1x8xi32>,
    return
  }
}

module attributes {stable_mosaic.version = 14 : i64} {
  func.func @_mlp_body(%arg0: i32, %arg1: i32, %arg2: memref<8xi32, #tpu.memory_space<smem>>, %arg3: memref<8xi32, #tpu.memory_space<smem>>, %arg4: memref<8xi32, #tpu.memory_space<smem>>, %arg5: memref<2352x1024xf32, #tpu.memory_space<vmem>>, %arg6: memref<8x1024x4096xf32, #tpu.memory_space<hbm>>, %arg7: memref<8x4096x1024xf32, #tpu.memory_space<hbm>>, %arg8: memref<1x1x1024xf32, #tpu.memory_space<vmem>>, %arg9: memref<1x1x1024xf32, #tpu.memory_space<vmem>>, %arg10: memref<2352x1024xf32, #tpu.memory_space<vmem>>, %arg11: memref<2x1024x1024xf32, #tpu.memory_space<vmem>>, %arg12: memref<2x1024x1024xf32, #tpu.memory_space<vmem>>, %arg13: memref<2x4x!tpu.dma_semaphore, #tpu.memory_space<semaphore_mem>>) attributes {dimension_semantics = [#tpu.dimension_semantics<arbitrary>, #tpu.dimension_semantics<arbitrary>], iteration_bounds = array<i64: 8, 4>, scalar_prefetch = 3 : i64, scratch_operands = 3 : i64, tpu.core_type = #tpu.core_type<tc>, window_params = [{pipeline_mode = #tpu.pipeline_mode<synchronous>, transform_indices = @transform_0, window_bounds = array<i64: 2352, 1024>}, {}, {}, {transform_indices = @transform_3, window_bounds = array<i64: 1, 1, 1024>}, {transform_indices = @transform_4, window_bounds = array<i64: 1, 1, 1024>}, {pipeline_mode = #tpu.pipeline_mode<synchronous>, transform_indices = @transform_5, window_bounds = array<i64: 2352, 1024>}]} {
    %mul3A = arith.constant 4 : i32
    %mul3A_0 = arith.muli %arg0, %mul3A : i32
    %add3A = arith.addi %mul3A_0, %arg1 : i32
    %rem3A = arith.constant 2 : i32
    %rem3A_1 = arith.remsi %add3A, %rem3A : i32
    %sub3A = arith.constant 1 : i32
    %sub3A_2 = arith.subi %sub3A, %rem3A_1 : i32
    %eq3A = arith.constant 0 : i32
    %eq3A_3 = arith.cmpi eq, %add3A, %eq3A : i32
    %convert_element_type3A = arith.extui %eq3A_3 : i1 to i32
    %cond3A = arith.constant 0 : i32
    %cond3A_4 = arith.cmpi ne, %convert_element_type3A, %cond3A : i32
    scf.if %cond3A_4 {
      %rem3A_110 = arith.constant 0 : i32
      %rem3A_111 = arith.constant 4 : i32
      %rem3A_112 = arith.remsi %rem3A_110, %rem3A_111 : i32
      %mul3A_113 = arith.constant 1024 : i32
      %mul3A_114 = arith.muli %rem3A_112, %mul3A_113 : i32
      %mul3A_115 = arith.constant 1024 : i32
      %mul3A_116 = arith.muli %rem3A_112, %mul3A_115 : i32
      %mul3A_117 = arith.constant 1024 : i32
      %mul3A_118 = arith.muli %rem3A_112, %mul3A_117 : i32
      %mul3A_119 = arith.constant 1024 : i32
      %mul3A_120 = arith.muli %rem3A_112, %mul3A_119 : i32
      %add3A_121 = arith.constant 512 : i32
      %add3A_122 = arith.addi %mul3A_120, %add3A_121 : i32
      %dma_start3A = arith.constant 0 : i32
      %dma_start3A_123 = arith.constant 0 : i32
      %dma_start3A_124 = arith.constant 0 : i32
      %dma_start3A_125 = arith.constant 0 : i32
      %dma_start3A_126 = tpu.memref_slice %arg13[%dma_start3A_124, %dma_start3A_125] : memref<2x4x!tpu.dma_semaphore, #tpu.memory_space<semaphore_mem>> -> memref<1x1x!tpu.dma_semaphore, #tpu.memory_space<semaphore_mem>>
      %dma_start3A_127 = tpu.memref_squeeze %dma_start3A_126 : memref<1x1x!tpu.dma_semaphore, #tpu.memory_space<semaphore_mem>> -> memref<!tpu.dma_semaphore, #tpu.memory_space<semaphore_mem>>
      %dma_start3A_128 = arith.constant 0 : i32
      %dma_start3A_129 = arith.constant 0 : i32
      %dma_start3A_130 = tpu.memref_slice %arg11[%dma_start3A_123, %dma_start3A_128, %dma_start3A_129] : memref<2x1024x1024xf32, #tpu.memory_space<vmem>> -> memref<1x512x1024xf32, #tpu.memory_space<vmem>>
      %dma_start3A_131 = tpu.memref_squeeze %dma_start3A_130 : memref<1x512x1024xf32, #tpu.memory_space<vmem>> -> memref<512x1024xf32, #tpu.memory_space<vmem>>
      %dma_start3A_132 = arith.constant 0 : i32
      %dma_start3A_133 = tpu.memref_slice %arg6[%dma_start3A, %dma_start3A_132, %mul3A_114] : memref<8x1024x4096xf32, #tpu.memory_space<hbm>> -> memref<1x512x1024xf32, #tpu.memory_space<hbm>>
      %dma_start3A_134 = tpu.memref_squeeze %dma_start3A_133 : memref<1x512x1024xf32, #tpu.memory_space<hbm>> -> memref<512x1024xf32, #tpu.memory_space<hbm>>
      tpu.enqueue_dma source(%dma_start3A_134 : memref<512x1024xf32, #tpu.memory_space<hbm>>) target(%dma_start3A_131 : memref<512x1024xf32, #tpu.memory_space<vmem>>) target_semaphore(%dma_start3A_127 : memref<!tpu.dma_semaphore, #tpu.memory_space<semaphore_mem>>)
      %dma_start3A_135 = arith.constant 0 : i32
      %dma_start3A_136 = arith.constant 0 : i32
      %dma_start3A_137 = arith.constant 0 : i32
      %dma_start3A_138 = arith.constant 1 : i32
      %dma_start3A_139 = tpu.memref_slice %arg13[%dma_start3A_137, %dma_start3A_138] : memref<2x4x!tpu.dma_semaphore, #tpu.memory_space<semaphore_mem>> -> memref<1x1x!tpu.dma_semaphore, #tpu.memory_space<semaphore_mem>>
      %dma_start3A_140 = tpu.memref_squeeze %dma_start3A_139 : memref<1x1x!tpu.dma_semaphore, #tpu.memory_space<semaphore_mem>> -> memref<!tpu.dma_semaphore, #tpu.memory_space<semaphore_mem>>
      %dma_start3A_141 = arith.constant 512 : i32
      %dma_start3A_142 = arith.constant 0 : i32
      %dma_start3A_143 = tpu.memref_slice %arg11[%dma_start3A_136, %dma_start3A_141, %dma_start3A_142] : memref<2x1024x1024xf32, #tpu.memory_space<vmem>> -> memref<1x512x1024xf32, #tpu.memory_space<vmem>>
      %dma_start3A_144 = tpu.memref_squeeze %dma_start3A_143 : memref<1x512x1024xf32, #tpu.memory_space<vmem>> -> memref<512x1024xf32, #tpu.memory_space<vmem>>
      %dma_start3A_145 = arith.constant 512 : i32
      %dma_start3A_146 = tpu.memref_slice %arg6[%dma_start3A_135, %dma_start3A_145, %mul3A_116] : memref<8x1024x4096xf32, #tpu.memory_space<hbm>> -> memref<1x512x1024xf32, #tpu.memory_space<hbm>>
      %dma_start3A_147 = tpu.memref_squeeze %dma_start3A_146 : memref<1x512x1024xf32, #tpu.memory_space<hbm>> -> memref<512x1024xf32, #tpu.memory_space<hbm>>
      tpu.enqueue_dma source(%dma_start3A_147 : memref<512x1024xf32, #tpu.memory_space<hbm>>) target(%dma_start3A_144 : memref<512x1024xf32, #tpu.memory_space<vmem>>) target_semaphore(%dma_start3A_140 : memref<!tpu.dma_semaphore, #tpu.memory_space<semaphore_mem>>)
      %dma_start3A_148 = arith.constant 0 : i32
      %dma_start3A_149 = arith.constant 0 : i32
      %dma_start3A_150 = arith.constant 0 : i32
      %dma_start3A_151 = arith.constant 2 : i32
      %dma_start3A_152 = tpu.memref_slice %arg13[%dma_start3A_150, %dma_start3A_151] : memref<2x4x!tpu.dma_semaphore, #tpu.memory_space<semaphore_mem>> -> memref<1x1x!tpu.dma_semaphore, #tpu.memory_space<semaphore_mem>>
      %dma_start3A_153 = tpu.memref_squeeze %dma_start3A_152 : memref<1x1x!tpu.dma_semaphore, #tpu.memory_space<semaphore_mem>> -> memref<!tpu.dma_semaphore, #tpu.memory_space<semaphore_mem>>
      %dma_start3A_154 = arith.constant 0 : i32
      %dma_start3A_155 = arith.constant 0 : i32
      %dma_start3A_156 = tpu.memref_slice %arg12[%dma_start3A_149, %dma_start3A_154, %dma_start3A_155] : memref<2x1024x1024xf32, #tpu.memory_space<vmem>> -> memref<1x512x1024xf32, #tpu.memory_space<vmem>>
      %dma_start3A_157 = tpu.memref_squeeze %dma_start3A_156 : memref<1x512x1024xf32, #tpu.memory_space<vmem>> -> memref<512x1024xf32, #tpu.memory_space<vmem>>
      %dma_start3A_158 = arith.constant 0 : i32
      %dma_start3A_159 = tpu.memref_slice %arg7[%dma_start3A_148, %mul3A_118, %dma_start3A_158] : memref<8x4096x1024xf32, #tpu.memory_space<hbm>> -> memref<1x512x1024xf32, #tpu.memory_space<hbm>>
      %dma_start3A_160 = tpu.memref_squeeze %dma_start3A_159 : memref<1x512x1024xf32, #tpu.memory_space<hbm>> -> memref<512x1024xf32, #tpu.memory_space<hbm>>
      tpu.enqueue_dma source(%dma_start3A_160 : memref<512x1024xf32, #tpu.memory_space<hbm>>) target(%dma_start3A_157 : memref<512x1024xf32, #tpu.memory_space<vmem>>) target_semaphore(%dma_start3A_153 : memref<!tpu.dma_semaphore, #tpu.memory_space<semaphore_mem>>)
      %dma_start3A_161 = arith.constant 0 : i32
      %dma_start3A_162 = arith.constant 0 : i32
      %dma_start3A_163 = arith.constant 0 : i32
      %dma_start3A_164 = arith.constant 3 : i32
      %dma_start3A_165 = tpu.memref_slice %arg13[%dma_start3A_163, %dma_start3A_164] : memref<2x4x!tpu.dma_semaphore, #tpu.memory_space<semaphore_mem>> -> memref<1x1x!tpu.dma_semaphore, #tpu.memory_space<semaphore_mem>>
      %dma_start3A_166 = tpu.memref_squeeze %dma_start3A_165 : memref<1x1x!tpu.dma_semaphore, #tpu.memory_space<semaphore_mem>> -> memref<!tpu.dma_semaphore, #tpu.memory_space<semaphore_mem>>
      %dma_start3A_167 = arith.constant 512 : i32
      %dma_start3A_168 = arith.constant 0 : i32
      %dma_start3A_169 = tpu.memref_slice %arg12[%dma_start3A_162, %dma_start3A_167, %dma_start3A_168] : memref<2x1024x1024xf32, #tpu.memory_space<vmem>> -> memref<1x512x1024xf32, #tpu.memory_space<vmem>>
      %dma_start3A_170 = tpu.memref_squeeze %dma_start3A_169 : memref<1x512x1024xf32, #tpu.memory_space<vmem>> -> memref<512x1024xf32, #tpu.memory_space<vmem>>
      %dma_start3A_171 = arith.constant 0 : i32
      %dma_start3A_172 = tpu.memref_slice %arg7[%dma_start3A_161, %add3A_122, %dma_start3A_171] : memref<8x4096x1024xf32, #tpu.memory_space<hbm>> -> memref<1x512x1024xf32, #tpu.memory_space<hbm>>
      %dma_start3A_173 = tpu.memref_squeeze %dma_start3A_172 : memref<1x512x1024xf32, #tpu.memory_space<hbm>> -> memref<512x1024xf32, #tpu.memory_space<hbm>>
      tpu.enqueue_dma source(%dma_start3A_173 : memref<512x1024xf32, #tpu.memory_space<hbm>>) target(%dma_start3A_170 : memref<512x1024xf32, #tpu.memory_space<vmem>>) target_semaphore(%dma_start3A_166 : memref<!tpu.dma_semaphore, #tpu.memory_space<semaphore_mem>>)
    } else {
    }
    %lt3A = arith.constant 31 : i32
    %lt3A_5 = arith.cmpi slt, %add3A, %lt3A : i32
    %convert_element_type3A_6 = arith.extui %lt3A_5 : i1 to i32
    %cond3A_7 = arith.constant 0 : i32
    %cond3A_8 = arith.cmpi ne, %convert_element_type3A_6, %cond3A_7 : i32
    scf.if %cond3A_8 {
      %add3A_110 = arith.constant 1 : i32
      %add3A_111 = arith.addi %add3A, %add3A_110 : i32
      %jit3A_112 = arith.constant 4 : i32
      %div3A_113 = arith.divsi %add3A_111, %jit3A_112 : i32
      %sign3A_114 = arith.constant 0 : i32
      %sign3A_115 = arith.cmpi sgt, %add3A_111, %sign3A_114 : i32
      %sign3A_116 = arith.extui %sign3A_115 : i1 to i32
      %sign3A_117 = arith.constant 0 : i32
      %sign3A_118 = arith.cmpi slt, %add3A_111, %sign3A_117 : i32
      %sign3A_119 = arith.extui %sign3A_118 : i1 to i32
      %sign3A_120 = arith.subi %sign3A_116, %sign3A_119 : i32
      %sign3A_121 = arith.constant 0 : i32
      %sign3A_122 = arith.cmpi sgt, %jit3A_112, %sign3A_121 : i32
      %sign3A_123 = arith.extui %sign3A_122 : i1 to i32
      %sign3A_124 = arith.constant 0 : i32
      %sign3A_125 = arith.cmpi slt, %jit3A_112, %sign3A_124 : i32
      %sign3A_126 = arith.extui %sign3A_125 : i1 to i32
      %sign3A_127 = arith.subi %sign3A_123, %sign3A_126 : i32
      %ne3A_128 = arith.cmpi ne, %sign3A_120, %sign3A_127 : i32
      %rem3A_129 = arith.remsi %add3A_111, %jit3A_112 : i32
      %ne3A_130 = arith.constant 0 : i32
      %ne3A_131 = arith.cmpi ne, %rem3A_129, %ne3A_130 : i32
      %and3A_132 = arith.andi %ne3A_128, %ne3A_131 : i1
      %sub3A_133 = arith.constant 1 : i32
      %sub3A_134 = arith.subi %div3A_113, %sub3A_133 : i32
      %select_n3A_135 = arith.select %and3A_132, %sub3A_134, %div3A_113 : i32
      %rem3A_136 = arith.constant 4 : i32
      %rem3A_137 = arith.remsi %add3A_111, %rem3A_136 : i32
      %mul3A_138 = arith.constant 1024 : i32
      %mul3A_139 = arith.muli %rem3A_137, %mul3A_138 : i32
      %mul3A_140 = arith.constant 1024 : i32
      %mul3A_141 = arith.muli %rem3A_137, %mul3A_140 : i32
      %mul3A_142 = arith.constant 1024 : i32
      %mul3A_143 = arith.muli %rem3A_137, %mul3A_142 : i32
      %mul3A_144 = arith.constant 1024 : i32
      %mul3A_145 = arith.muli %rem3A_137, %mul3A_144 : i32
      %add3A_146 = arith.constant 512 : i32
      %add3A_147 = arith.addi %mul3A_145, %add3A_146 : i32
      %dma_start3A = arith.constant 0 : i32
      %dma_start3A_148 = tpu.memref_slice %arg13[%sub3A_2, %dma_start3A] : memref<2x4x!tpu.dma_semaphore, #tpu.memory_space<semaphore_mem>> -> memref<1x1x!tpu.dma_semaphore, #tpu.memory_space<semaphore_mem>>
      %dma_start3A_149 = tpu.memref_squeeze %dma_start3A_148 : memref<1x1x!tpu.dma_semaphore, #tpu.memory_space<semaphore_mem>> -> memref<!tpu.dma_semaphore, #tpu.memory_space<semaphore_mem>>
      %dma_start3A_150 = arith.constant 0 : i32
      %dma_start3A_151 = arith.constant 0 : i32
      %dma_start3A_152 = tpu.memref_slice %arg11[%sub3A_2, %dma_start3A_150, %dma_start3A_151] : memref<2x1024x1024xf32, #tpu.memory_space<vmem>> -> memref<1x512x1024xf32, #tpu.memory_space<vmem>>
      %dma_start3A_153 = tpu.memref_squeeze %dma_start3A_152 : memref<1x512x1024xf32, #tpu.memory_space<vmem>> -> memref<512x1024xf32, #tpu.memory_space<vmem>>
      %dma_start3A_154 = arith.constant 0 : i32
      %dma_start3A_155 = tpu.memref_slice %arg6[%select_n3A_135, %dma_start3A_154, %mul3A_139] : memref<8x1024x4096xf32, #tpu.memory_space<hbm>> -> memref<1x512x1024xf32, #tpu.memory_space<hbm>>
      %dma_start3A_156 = tpu.memref_squeeze %dma_start3A_155 : memref<1x512x1024xf32, #tpu.memory_space<hbm>> -> memref<512x1024xf32, #tpu.memory_space<hbm>>
      tpu.enqueue_dma source(%dma_start3A_156 : memref<512x1024xf32, #tpu.memory_space<hbm>>) target(%dma_start3A_153 : memref<512x1024xf32, #tpu.memory_space<vmem>>) target_semaphore(%dma_start3A_149 : memref<!tpu.dma_semaphore, #tpu.memory_space<semaphore_mem>>)
      %dma_start3A_157 = arith.constant 1 : i32
      %dma_start3A_158 = tpu.memref_slice %arg13[%sub3A_2, %dma_start3A_157] : memref<2x4x!tpu.dma_semaphore, #tpu.memory_space<semaphore_mem>> -> memref<1x1x!tpu.dma_semaphore, #tpu.memory_space<semaphore_mem>>
      %dma_start3A_159 = tpu.memref_squeeze %dma_start3A_158 : memref<1x1x!tpu.dma_semaphore, #tpu.memory_space<semaphore_mem>> -> memref<!tpu.dma_semaphore, #tpu.memory_space<semaphore_mem>>
      %dma_start3A_160 = arith.constant 512 : i32
      %dma_start3A_161 = arith.constant 0 : i32
      %dma_start3A_162 = tpu.memref_slice %arg11[%sub3A_2, %dma_start3A_160, %dma_start3A_161] : memref<2x1024x1024xf32, #tpu.memory_space<vmem>> -> memref<1x512x1024xf32, #tpu.memory_space<vmem>>
      %dma_start3A_163 = tpu.memref_squeeze %dma_start3A_162 : memref<1x512x1024xf32, #tpu.memory_space<vmem>> -> memref<512x1024xf32, #tpu.memory_space<vmem>>
      %dma_start3A_164 = arith.constant 512 : i32
      %dma_start3A_165 = tpu.memref_slice %arg6[%select_n3A_135, %dma_start3A_164, %mul3A_141] : memref<8x1024x4096xf32, #tpu.memory_space<hbm>> -> memref<1x512x1024xf32, #tpu.memory_space<hbm>>
      %dma_start3A_166 = tpu.memref_squeeze %dma_start3A_165 : memref<1x512x1024xf32, #tpu.memory_space<hbm>> -> memref<512x1024xf32, #tpu.memory_space<hbm>>
      tpu.enqueue_dma source(%dma_start3A_166 : memref<512x1024xf32, #tpu.memory_space<hbm>>) target(%dma_start3A_163 : memref<512x1024xf32, #tpu.memory_space<vmem>>) target_semaphore(%dma_start3A_159 : memref<!tpu.dma_semaphore, #tpu.memory_space<semaphore_mem>>)
      %dma_start3A_167 = arith.constant 2 : i32
      %dma_start3A_168 = tpu.memref_slice %arg13[%sub3A_2, %dma_start3A_167] : memref<2x4x!tpu.dma_semaphore, #tpu.memory_space<semaphore_mem>> -> memref<1x1x!tpu.dma_semaphore, #tpu.memory_space<semaphore_mem>>
      %dma_start3A_169 = tpu.memref_squeeze %dma_start3A_168 : memref<1x1x!tpu.dma_semaphore, #tpu.memory_space<semaphore_mem>> -> memref<!tpu.dma_semaphore, #tpu.memory_space<semaphore_mem>>
      %dma_start3A_170 = arith.constant 0 : i32
      %dma_start3A_171 = arith.constant 0 : i32
      %dma_start3A_172 = tpu.memref_slice %arg12[%sub3A_2, %dma_start3A_170, %dma_start3A_171] : memref<2x1024x1024xf32, #tpu.memory_space<vmem>> -> memref<1x512x1024xf32, #tpu.memory_space<vmem>>
      %dma_start3A_173 = tpu.memref_squeeze %dma_start3A_172 : memref<1x512x1024xf32, #tpu.memory_space<vmem>> -> memref<512x1024xf32, #tpu.memory_space<vmem>>
      %dma_start3A_174 = arith.constant 0 : i32
      %dma_start3A_175 = tpu.memref_slice %arg7[%select_n3A_135, %mul3A_143, %dma_start3A_174] : memref<8x4096x1024xf32, #tpu.memory_space<hbm>> -> memref<1x512x1024xf32, #tpu.memory_space<hbm>>
      %dma_start3A_176 = tpu.memref_squeeze %dma_start3A_175 : memref<1x512x1024xf32, #tpu.memory_space<hbm>> -> memref<512x1024xf32, #tpu.memory_space<hbm>>
      tpu.enqueue_dma source(%dma_start3A_176 : memref<512x1024xf32, #tpu.memory_space<hbm>>) target(%dma_start3A_173 : memref<512x1024xf32, #tpu.memory_space<vmem>>) target_semaphore(%dma_start3A_169 : memref<!tpu.dma_semaphore, #tpu.memory_space<semaphore_mem>>)
      %dma_start3A_177 = arith.constant 3 : i32
      %dma_start3A_178 = tpu.memref_slice %arg13[%sub3A_2, %dma_start3A_177] : memref<2x4x!tpu.dma_semaphore, #tpu.memory_space<semaphore_mem>> -> memref<1x1x!tpu.dma_semaphore, #tpu.memory_space<semaphore_mem>>
      %dma_start3A_179 = tpu.memref_squeeze %dma_start3A_178 : memref<1x1x!tpu.dma_semaphore, #tpu.memory_space<semaphore_mem>> -> memref<!tpu.dma_semaphore, #tpu.memory_space<semaphore_mem>>
      %dma_start3A_180 = arith.constant 512 : i32
      %dma_start3A_181 = arith.constant 0 : i32
      %dma_start3A_182 = tpu.memref_slice %arg12[%sub3A_2, %dma_start3A_180, %dma_start3A_181] : memref<2x1024x1024xf32, #tpu.memory_space<vmem>> -> memref<1x512x1024xf32, #tpu.memory_space<vmem>>
      %dma_start3A_183 = tpu.memref_squeeze %dma_start3A_182 : memref<1x512x1024xf32, #tpu.memory_space<vmem>> -> memref<512x1024xf32, #tpu.memory_space<vmem>>
      %dma_start3A_184 = arith.constant 0 : i32
      %dma_start3A_185 = tpu.memref_slice %arg7[%select_n3A_135, %add3A_147, %dma_start3A_184] : memref<8x4096x1024xf32, #tpu.memory_space<hbm>> -> memref<1x512x1024xf32, #tpu.memory_space<hbm>>
      %dma_start3A_186 = tpu.memref_squeeze %dma_start3A_185 : memref<1x512x1024xf32, #tpu.memory_space<hbm>> -> memref<512x1024xf32, #tpu.memory_space<hbm>>
      tpu.enqueue_dma source(%dma_start3A_186 : memref<512x1024xf32, #tpu.memory_space<hbm>>) target(%dma_start3A_183 : memref<512x1024xf32, #tpu.memory_space<vmem>>) target_semaphore(%dma_start3A_179 : memref<!tpu.dma_semaphore, #tpu.memory_space<semaphore_mem>>)
    } else {
    }
    %jit3A = arith.constant 4 : i32
    %div3A = arith.divsi %add3A, %jit3A : i32
    %sign3A = arith.constant 0 : i32
    %sign3A_9 = arith.cmpi sgt, %add3A, %sign3A : i32
    %sign3A_10 = arith.extui %sign3A_9 : i1 to i32
    %sign3A_11 = arith.constant 0 : i32
    %sign3A_12 = arith.cmpi slt, %add3A, %sign3A_11 : i32
    %sign3A_13 = arith.extui %sign3A_12 : i1 to i32
    %sign3A_14 = arith.subi %sign3A_10, %sign3A_13 : i32
    %sign3A_15 = arith.constant 0 : i32
    %sign3A_16 = arith.cmpi sgt, %jit3A, %sign3A_15 : i32
    %sign3A_17 = arith.extui %sign3A_16 : i1 to i32
    %sign3A_18 = arith.constant 0 : i32
    %sign3A_19 = arith.cmpi slt, %jit3A, %sign3A_18 : i32
    %sign3A_20 = arith.extui %sign3A_19 : i1 to i32
    %sign3A_21 = arith.subi %sign3A_17, %sign3A_20 : i32
    %ne3A = arith.cmpi ne, %sign3A_14, %sign3A_21 : i32
    %rem3A_22 = arith.remsi %add3A, %jit3A : i32
    %ne3A_23 = arith.constant 0 : i32
    %ne3A_24 = arith.cmpi ne, %rem3A_22, %ne3A_23 : i32
    %and3A = arith.andi %ne3A, %ne3A_24 : i1
    %sub3A_25 = arith.constant 1 : i32
    %sub3A_26 = arith.subi %div3A, %sub3A_25 : i32
    %select_n3A = arith.select %and3A, %sub3A_26, %div3A : i32
    %rem3A_27 = arith.constant 4 : i32
    %rem3A_28 = arith.remsi %add3A, %rem3A_27 : i32
    %mul3A_29 = arith.constant 1024 : i32
    %mul3A_30 = arith.muli %rem3A_28, %mul3A_29 : i32
    %mul3A_31 = arith.constant 1024 : i32
    %mul3A_32 = arith.muli %rem3A_28, %mul3A_31 : i32
    %mul3A_33 = arith.constant 1024 : i32
    %mul3A_34 = arith.muli %rem3A_28, %mul3A_33 : i32
    %mul3A_35 = arith.constant 1024 : i32
    %mul3A_36 = arith.muli %rem3A_28, %mul3A_35 : i32
    %add3A_37 = arith.constant 512 : i32
    %add3A_38 = arith.addi %mul3A_36, %add3A_37 : i32
    %dma_wait3A = arith.constant 0 : i32
    %dma_wait3A_39 = tpu.memref_slice %arg13[%rem3A_1, %dma_wait3A] : memref<2x4x!tpu.dma_semaphore, #tpu.memory_space<semaphore_mem>> -> memref<1x1x!tpu.dma_semaphore, #tpu.memory_space<semaphore_mem>>
    %dma_wait3A_40 = tpu.memref_squeeze %dma_wait3A_39 : memref<1x1x!tpu.dma_semaphore, #tpu.memory_space<semaphore_mem>> -> memref<!tpu.dma_semaphore, #tpu.memory_space<semaphore_mem>>
    %dma_wait3A_41 = arith.constant 0 : i32
    %dma_wait3A_42 = arith.constant 0 : i32
    %dma_wait3A_43 = tpu.memref_slice %arg11[%rem3A_1, %dma_wait3A_41, %dma_wait3A_42] : memref<2x1024x1024xf32, #tpu.memory_space<vmem>> -> memref<1x512x1024xf32, #tpu.memory_space<vmem>>
    %dma_wait3A_44 = tpu.memref_squeeze %dma_wait3A_43 : memref<1x512x1024xf32, #tpu.memory_space<vmem>> -> memref<512x1024xf32, #tpu.memory_space<vmem>>
    %dma_wait3A_45 = arith.constant 0 : i32
    %dma_wait3A_46 = tpu.memref_slice %arg6[%select_n3A, %dma_wait3A_45, %mul3A_30] : memref<8x1024x4096xf32, #tpu.memory_space<hbm>> -> memref<1x512x1024xf32, #tpu.memory_space<hbm>>
    %dma_wait3A_47 = tpu.memref_squeeze %dma_wait3A_46 : memref<1x512x1024xf32, #tpu.memory_space<hbm>> -> memref<512x1024xf32, #tpu.memory_space<hbm>>
    tpu.wait_dma2 semaphore(%dma_wait3A_40 : memref<!tpu.dma_semaphore, #tpu.memory_space<semaphore_mem>>) src(%dma_wait3A_47 : memref<512x1024xf32, #tpu.memory_space<hbm>>) dst(%dma_wait3A_44 : memref<512x1024xf32, #tpu.memory_space<vmem>>)
    %dma_wait3A_48 = arith.constant 1 : i32
    %dma_wait3A_49 = tpu.memref_slice %arg13[%rem3A_1, %dma_wait3A_48] : memref<2x4x!tpu.dma_semaphore, #tpu.memory_space<semaphore_mem>> -> memref<1x1x!tpu.dma_semaphore, #tpu.memory_space<semaphore_mem>>
    %dma_wait3A_50 = tpu.memref_squeeze %dma_wait3A_49 : memref<1x1x!tpu.dma_semaphore, #tpu.memory_space<semaphore_mem>> -> memref<!tpu.dma_semaphore, #tpu.memory_space<semaphore_mem>>
    %dma_wait3A_51 = arith.constant 512 : i32
    %dma_wait3A_52 = arith.constant 0 : i32
    %dma_wait3A_53 = tpu.memref_slice %arg11[%rem3A_1, %dma_wait3A_51, %dma_wait3A_52] : memref<2x1024x1024xf32, #tpu.memory_space<vmem>> -> memref<1x512x1024xf32, #tpu.memory_space<vmem>>
    %dma_wait3A_54 = tpu.memref_squeeze %dma_wait3A_53 : memref<1x512x1024xf32, #tpu.memory_space<vmem>> -> memref<512x1024xf32, #tpu.memory_space<vmem>>
    %dma_wait3A_55 = arith.constant 512 : i32
    %dma_wait3A_56 = tpu.memref_slice %arg6[%select_n3A, %dma_wait3A_55, %mul3A_32] : memref<8x1024x4096xf32, #tpu.memory_space<hbm>> -> memref<1x512x1024xf32, #tpu.memory_space<hbm>>
    %dma_wait3A_57 = tpu.memref_squeeze %dma_wait3A_56 : memref<1x512x1024xf32, #tpu.memory_space<hbm>> -> memref<512x1024xf32, #tpu.memory_space<hbm>>
    tpu.wait_dma2 semaphore(%dma_wait3A_50 : memref<!tpu.dma_semaphore, #tpu.memory_space<semaphore_mem>>) src(%dma_wait3A_57 : memref<512x1024xf32, #tpu.memory_space<hbm>>) dst(%dma_wait3A_54 : memref<512x1024xf32, #tpu.memory_space<vmem>>)
    %dma_wait3A_58 = arith.constant 2 : i32
    %dma_wait3A_59 = tpu.memref_slice %arg13[%rem3A_1, %dma_wait3A_58] : memref<2x4x!tpu.dma_semaphore, #tpu.memory_space<semaphore_mem>> -> memref<1x1x!tpu.dma_semaphore, #tpu.memory_space<semaphore_mem>>
    %dma_wait3A_60 = tpu.memref_squeeze %dma_wait3A_59 : memref<1x1x!tpu.dma_semaphore, #tpu.memory_space<semaphore_mem>> -> memref<!tpu.dma_semaphore, #tpu.memory_space<semaphore_mem>>
    %dma_wait3A_61 = arith.constant 0 : i32
    %dma_wait3A_62 = arith.constant 0 : i32
    %dma_wait3A_63 = tpu.memref_slice %arg12[%rem3A_1, %dma_wait3A_61, %dma_wait3A_62] : memref<2x1024x1024xf32, #tpu.memory_space<vmem>> -> memref<1x512x1024xf32, #tpu.memory_space<vmem>>
    %dma_wait3A_64 = tpu.memref_squeeze %dma_wait3A_63 : memref<1x512x1024xf32, #tpu.memory_space<vmem>> -> memref<512x1024xf32, #tpu.memory_space<vmem>>
    %dma_wait3A_65 = arith.constant 0 : i32
    %dma_wait3A_66 = tpu.memref_slice %arg7[%select_n3A, %mul3A_34, %dma_wait3A_65] : memref<8x4096x1024xf32, #tpu.memory_space<hbm>> -> memref<1x512x1024xf32, #tpu.memory_space<hbm>>
    %dma_wait3A_67 = tpu.memref_squeeze %dma_wait3A_66 : memref<1x512x1024xf32, #tpu.memory_space<hbm>> -> memref<512x1024xf32, #tpu.memory_space<hbm>>
    tpu.wait_dma2 semaphore(%dma_wait3A_60 : memref<!tpu.dma_semaphore, #tpu.memory_space<semaphore_mem>>) src(%dma_wait3A_67 : memref<512x1024xf32, #tpu.memory_space<hbm>>) dst(%dma_wait3A_64 : memref<512x1024xf32, #tpu.memory_space<vmem>>)
    %dma_wait3A_68 = arith.constant 3 : i32
    %dma_wait3A_69 = tpu.memref_slice %arg13[%rem3A_1, %dma_wait3A_68] : memref<2x4x!tpu.dma_semaphore, #tpu.memory_space<semaphore_mem>> -> memref<1x1x!tpu.dma_semaphore, #tpu.memory_space<semaphore_mem>>
    %dma_wait3A_70 = tpu.memref_squeeze %dma_wait3A_69 : memref<1x1x!tpu.dma_semaphore, #tpu.memory_space<semaphore_mem>> -> memref<!tpu.dma_semaphore, #tpu.memory_space<semaphore_mem>>
    %dma_wait3A_71 = arith.constant 512 : i32
    %dma_wait3A_72 = arith.constant 0 : i32
    %dma_wait3A_73 = tpu.memref_slice %arg12[%rem3A_1, %dma_wait3A_71, %dma_wait3A_72] : memref<2x1024x1024xf32, #tpu.memory_space<vmem>> -> memref<1x512x1024xf32, #tpu.memory_space<vmem>>
    %dma_wait3A_74 = tpu.memref_squeeze %dma_wait3A_73 : memref<1x512x1024xf32, #tpu.memory_space<vmem>> -> memref<512x1024xf32, #tpu.memory_space<vmem>>
    %dma_wait3A_75 = arith.constant 0 : i32
    %dma_wait3A_76 = tpu.memref_slice %arg7[%select_n3A, %add3A_38, %dma_wait3A_75] : memref<8x4096x1024xf32, #tpu.memory_space<hbm>> -> memref<1x512x1024xf32, #tpu.memory_space<hbm>>
    %dma_wait3A_77 = tpu.memref_squeeze %dma_wait3A_76 : memref<1x512x1024xf32, #tpu.memory_space<hbm>> -> memref<512x1024xf32, #tpu.memory_space<hbm>>
    tpu.wait_dma2 semaphore(%dma_wait3A_70 : memref<!tpu.dma_semaphore, #tpu.memory_space<semaphore_mem>>) src(%dma_wait3A_77 : memref<512x1024xf32, #tpu.memory_space<hbm>>) dst(%dma_wait3A_74 : memref<512x1024xf32, #tpu.memory_space<vmem>>)
    %get3A = arith.index_cast %arg0 : i32 to index
    %get3A_78 = memref.load %arg2[%get3A] : memref<8xi32, #tpu.memory_space<smem>>
    %get3A_79 = arith.index_cast %arg0 : i32 to index
    %get3A_80 = memref.load %arg3[%get3A_79] : memref<8xi32, #tpu.memory_space<smem>>
    %get3A_81 = arith.index_cast %rem3A_1 : i32 to index
    %get3A_82 = arith.constant 0 : index
    %get3A_83 = arith.constant 0 : index
    %get3A_84 = vector.load %arg11[%get3A_81, %get3A_82, %get3A_83] : memref<2x1024x1024xf32, #tpu.memory_space<vmem>>, vector<1x1024x1024xf32>
    %get3A_85 = vector.shape_cast %get3A_84 : vector<1x1024x1024xf32> to vector<1024x1024xf32>
    %get3A_86 = arith.index_cast %rem3A_1 : i32 to index
    %get3A_87 = arith.constant 0 : index
    %get3A_88 = arith.constant 0 : index
    %get3A_89 = vector.load %arg12[%get3A_86, %get3A_87, %get3A_88] : memref<2x1024x1024xf32, #tpu.memory_space<vmem>>, vector<1x1024x1024xf32>
    %get3A_90 = vector.shape_cast %get3A_89 : vector<1x1024x1024xf32> to vector<1024x1024xf32>
    %get3A_91 = arith.constant 0 : index
    %get3A_92 = arith.constant 0 : index
    %get3A_93 = arith.constant 0 : index
    %get3A_94 = vector.load %arg8[%get3A_91, %get3A_92, %get3A_93] : memref<1x1x1024xf32, #tpu.memory_space<vmem>>, vector<1x1x1024xf32>
    %get3A_95 = vector.shape_cast %get3A_94 : vector<1x1x1024xf32> to vector<1024xf32>
    %get3A_96 = arith.constant 0 : index
    %get3A_97 = arith.constant 0 : index
    %get3A_98 = arith.constant 0 : index
    %get3A_99 = vector.load %arg9[%get3A_96, %get3A_97, %get3A_98] : memref<1x1x1024xf32, #tpu.memory_space<vmem>>, vector<1x1x1024xf32>
    %get3A_100 = vector.shape_cast %get3A_99 : vector<1x1x1024xf32> to vector<1024xf32>
    %while3A = arith.constant 0 : i32
    %while3A_101 = arith.constant 0 : i32
    %while3A_102 = arith.subi %get3A_80, %while3A_101 : i32
    %while3A_103 = arith.addi %while3A_101, %while3A_102 : i32
    %while3A_104 = arith.constant 1 : i32
    %while3A_105 = arith.divsi %while3A_102, %while3A_104 : i32
    %while3A_106 = arith.muli %while3A_105, %while3A_104 : i32
    %while3A_107 = arith.addi %while3A_101, %while3A_106 : i32
    %while3A_108 = arith.constant 1 : i32
    scf.for %while3A_110 = %while3A_101 to %while3A_107 step %while3A_108  : i32 {
      %mul3A_111 = arith.constant 256 : i32
      %mul3A_112 = arith.muli %while3A_110, %mul3A_111 : i32
      %add3A_113 = arith.addi %get3A_78, %mul3A_112 : i32
      %multiple_of3A = tpu.assume_multiple %add3A_113, 8 : i32
      %get3A_114 = arith.index_cast %multiple_of3A : i32 to index
      %get3A_115 = arith.constant 0 : index
      %get3A_116 = vector.load %arg5[%get3A_114, %get3A_115] : memref<2352x1024xf32, #tpu.memory_space<vmem>>, vector<256x1024xf32>
      %dot_general3A = arith.constant dense<0.000000e+00> : vector<256x1024xf32>
      %dot_general3A_117 = tpu.matmul %get3A_116, %get3A_85, %dot_general3A {dimension_numbers = #tpu.dot_dimension_numbers<[1], [0], [0], [1], [0, 0, 1, 1], [], []>, transpose_lhs_hint = false} : vector<256x1024xf32>, vector<1024x1024xf32>, vector<256x1024xf32> -> vector<256x1024xf32>
      %broadcast_in_dim3A = vector.shape_cast %get3A_95 : vector<1024xf32> to vector<1x1024xf32>
      %add3A_118 = vector.broadcast %broadcast_in_dim3A : vector<1x1024xf32> to vector<256x1024xf32>
      %add3A_119 = arith.addf %dot_general3A_117, %add3A_118 : vector<256x1024xf32>
      %max3A = arith.constant 0.000000e+00 : f32
      %max3A_120 = vector.broadcast %max3A : f32 to vector<256x1024xf32>
      %max3A_121 = arith.maximumf %add3A_119, %max3A_120 : vector<256x1024xf32>
      %dot_general3A_122 = arith.constant dense<0.000000e+00> : vector<256x1024xf32>
      %dot_general3A_123 = tpu.matmul %max3A_121, %get3A_90, %dot_general3A_122 {dimension_numbers = #tpu.dot_dimension_numbers<[1], [0], [0], [1], [0, 0, 1, 1], [], []>, transpose_lhs_hint = false} : vector<256x1024xf32>, vector<1024x1024xf32>, vector<256x1024xf32> -> vector<256x1024xf32>
      %eq3A_124 = arith.constant 0 : i32
      %eq3A_125 = arith.cmpi eq, %arg1, %eq3A_124 : i32
      %convert_element_type3A_126 = arith.extui %eq3A_125 : i1 to i32
      %cond3A_127 = arith.constant 0 : i32
      %cond3A_128 = arith.cmpi ne, %convert_element_type3A_126, %cond3A_127 : i32
      scf.if %cond3A_128 {
        %broadcast_in_dim3A_134 = vector.shape_cast %get3A_100 : vector<1024xf32> to vector<1x1024xf32>
        %add3A_135 = vector.broadcast %broadcast_in_dim3A_134 : vector<1x1024xf32> to vector<256x1024xf32>
        %add3A_136 = arith.addf %dot_general3A_123, %add3A_135 : vector<256x1024xf32>
        %swap3A = arith.index_cast %multiple_of3A : i32 to index
        %swap3A_137 = arith.constant 0 : index
        %swap3A_138 = vector.load %arg10[%swap3A, %swap3A_137] : memref<2352x1024xf32, #tpu.memory_space<vmem>>, vector<256x1024xf32>
        tpu.vector_store %arg10[%swap3A, %swap3A_137], %add3A_136 {strides = array<i32>} : memref<2352x1024xf32, #tpu.memory_space<vmem>>, vector<256x1024xf32>,
      } else {
      }
      %ne3A_129 = arith.constant 0 : i32
      %ne3A_130 = arith.cmpi ne, %arg1, %ne3A_129 : i32
      %convert_element_type3A_131 = arith.extui %ne3A_130 : i1 to i32
      %cond3A_132 = arith.constant 0 : i32
      %cond3A_133 = arith.cmpi ne, %convert_element_type3A_131, %cond3A_132 : i32
      scf.if %cond3A_133 {
        %get3A_134 = arith.index_cast %multiple_of3A : i32 to index
        %get3A_135 = arith.constant 0 : index
        %get3A_136 = vector.load %arg10[%get3A_134, %get3A_135] : memref<2352x1024xf32, #tpu.memory_space<vmem>>, vector<256x1024xf32>
        %add3A_137 = arith.addf %get3A_136, %dot_general3A_123 : vector<256x1024xf32>
        %swap3A = arith.index_cast %multiple_of3A : i32 to index
        %swap3A_138 = arith.constant 0 : index
        %swap3A_139 = vector.load %arg10[%swap3A, %swap3A_138] : memref<2352x1024xf32, #tpu.memory_space<vmem>>, vector<256x1024xf32>
        tpu.vector_store %arg10[%swap3A, %swap3A_138], %add3A_137 {strides = array<i32>} : memref<2352x1024xf32, #tpu.memory_space<vmem>>, vector<256x1024xf32>,
      } else {
      }
    }
    %while3A_109 = arith.constant 1 : i32
    scf.for %while3A_110 = %while3A_107 to %while3A_103 step %while3A_109  : i32 {
      %mul3A_111 = arith.constant 256 : i32
      %mul3A_112 = arith.muli %while3A_110, %mul3A_111 : i32
      %add3A_113 = arith.addi %get3A_78, %mul3A_112 : i32
      %multiple_of3A = tpu.assume_multiple %add3A_113, 8 : i32
      %get3A_114 = arith.index_cast %multiple_of3A : i32 to index
      %get3A_115 = arith.constant 0 : index
      %get3A_116 = vector.load %arg5[%get3A_114, %get3A_115] : memref<2352x1024xf32, #tpu.memory_space<vmem>>, vector<256x1024xf32>
      %dot_general3A = arith.constant dense<0.000000e+00> : vector<256x1024xf32>
      %dot_general3A_117 = tpu.matmul %get3A_116, %get3A_85, %dot_general3A {dimension_numbers = #tpu.dot_dimension_numbers<[1], [0], [0], [1], [0, 0, 1, 1], [], []>, transpose_lhs_hint = false} : vector<256x1024xf32>, vector<1024x1024xf32>, vector<256x1024xf32> -> vector<256x1024xf32>
      %broadcast_in_dim3A = vector.shape_cast %get3A_95 : vector<1024xf32> to vector<1x1024xf32>
      %add3A_118 = vector.broadcast %broadcast_in_dim3A : vector<1x1024xf32> to vector<256x1024xf32>
      %add3A_119 = arith.addf %dot_general3A_117, %add3A_118 : vector<256x1024xf32>
      %max3A = arith.constant 0.000000e+00 : f32
      %max3A_120 = vector.broadcast %max3A : f32 to vector<256x1024xf32>
      %max3A_121 = arith.maximumf %add3A_119, %max3A_120 : vector<256x1024xf32>
      %dot_general3A_122 = arith.constant dense<0.000000e+00> : vector<256x1024xf32>
      %dot_general3A_123 = tpu.matmul %max3A_121, %get3A_90, %dot_general3A_122 {dimension_numbers = #tpu.dot_dimension_numbers<[1], [0], [0], [1], [0, 0, 1, 1], [], []>, transpose_lhs_hint = false} : vector<256x1024xf32>, vector<1024x1024xf32>, vector<256x1024xf32> -> vector<256x1024xf32>
      %eq3A_124 = arith.constant 0 : i32
      %eq3A_125 = arith.cmpi eq, %arg1, %eq3A_124 : i32
      %convert_element_type3A_126 = arith.extui %eq3A_125 : i1 to i32
      %cond3A_127 = arith.constant 0 : i32
      %cond3A_128 = arith.cmpi ne, %convert_element_type3A_126, %cond3A_127 : i32
      scf.if %cond3A_128 {
        %broadcast_in_dim3A_134 = vector.shape_cast %get3A_100 : vector<1024xf32> to vector<1x1024xf32>
        %add3A_135 = vector.broadcast %broadcast_in_dim3A_134 : vector<1x1024xf32> to vector<256x1024xf32>
        %add3A_136 = arith.addf %dot_general3A_123, %add3A_135 : vector<256x1024xf32>
        %swap3A = arith.index_cast %multiple_of3A : i32 to index
        %swap3A_137 = arith.constant 0 : index
        %swap3A_138 = vector.load %arg10[%swap3A, %swap3A_137] : memref<2352x1024xf32, #tpu.memory_space<vmem>>, vector<256x1024xf32>
        tpu.vector_store %arg10[%swap3A, %swap3A_137], %add3A_136 {strides = array<i32>} : memref<2352x1024xf32, #tpu.memory_space<vmem>>, vector<256x1024xf32>,
      } else {
      }
      %ne3A_129 = arith.constant 0 : i32
      %ne3A_130 = arith.cmpi ne, %arg1, %ne3A_129 : i32
      %convert_element_type3A_131 = arith.extui %ne3A_130 : i1 to i32
      %cond3A_132 = arith.constant 0 : i32
      %cond3A_133 = arith.cmpi ne, %convert_element_type3A_131, %cond3A_132 : i32
      scf.if %cond3A_133 {
        %get3A_134 = arith.index_cast %multiple_of3A : i32 to index
        %get3A_135 = arith.constant 0 : index
        %get3A_136 = vector.load %arg10[%get3A_134, %get3A_135] : memref<2352x1024xf32, #tpu.memory_space<vmem>>, vector<256x1024xf32>
        %add3A_137 = arith.addf %get3A_136, %dot_general3A_123 : vector<256x1024xf32>
        %swap3A = arith.index_cast %multiple_of3A : i32 to index
        %swap3A_138 = arith.constant 0 : index
        %swap3A_139 = vector.load %arg10[%swap3A, %swap3A_138] : memref<2352x1024xf32, #tpu.memory_space<vmem>>, vector<256x1024xf32>
        tpu.vector_store %arg10[%swap3A, %swap3A_138], %add3A_137 {strides = array<i32>} : memref<2352x1024xf32, #tpu.memory_space<vmem>>, vector<256x1024xf32>,
      } else {
      }
    }
    return
  }
  func.func @transform_0(%arg0: i32, %arg1: i32, %arg2: memref<8xi32, #tpu.memory_space<smem>>, %arg3: memref<8xi32, #tpu.memory_space<smem>>, %arg4: memref<8xi32, #tpu.memory_space<smem>>) -> (i32, i32) {
    %c0_i32 = arith.constant 0 : i32
    %c0_i32_0 = arith.constant 0 : i32
    %c0_i32_1 = arith.constant 0 : i32
    return %c0_i32, %c0_i32_0 : i32, i32
  }
  func.func @transform_3(%arg0: i32, %arg1: i32, %arg2: memref<8xi32, #tpu.memory_space<smem>>, %arg3: memref<8xi32, #tpu.memory_space<smem>>, %arg4: memref<8xi32, #tpu.memory_space<smem>>) -> (i32, i32, i32) {
    %c0_i32 = arith.constant 0 : i32
    %c0_i32_0 = arith.constant 0 : i32
    return %arg0, %c0_i32, %arg1 : i32, i32, i32
  }
  func.func @transform_4(%arg0: i32, %arg1: i32, %arg2: memref<8xi32, #tpu.memory_space<smem>>, %arg3: memref<8xi32, #tpu.memory_space<smem>>, %arg4: memref<8xi32, #tpu.memory_space<smem>>) -> (i32, i32, i32) {
    %c0_i32 = arith.constant 0 : i32
    %c0_i32_0 = arith.constant 0 : i32
    %c0_i32_1 = arith.constant 0 : i32
    return %arg0, %c0_i32, %c0_i32_0 : i32, i32, i32
  }
  func.func @transform_5(%arg0: i32, %arg1: i32, %arg2: memref<8xi32, #tpu.memory_space<smem>>, %arg3: memref<8xi32, #tpu.memory_space<smem>>, %arg4: memref<8xi32, #tpu.memory_space<smem>>) -> (i32, i32) {
    %c0_i32 = arith.constant 0 : i32
    %c0_i32_0 = arith.constant 0 : i32
    %c0_i32_1 = arith.constant 0 : i32
    return %c0_i32, %c0_i32_0 : i32, i32
  }
}

</mosaic_0001>

<sc_bundles>
// kernel: kernel.6.cloned.1.call-start
scs
__scs_entry_jumppad:
0x0: {  	(pc) =	sbr.rel $0x88, $3  }
0x1: {  	(tag) =	ssettag $0x0;
	lr =	simm.s32 $0x1  }
0x2: {  	[smem:$0x3F9A] =	sst lr;
	_ =	strace $0xD0000000  }
0x3: {  	_ = 	snop  }
0x4: {  	_ = 	snop  }
0x5: {  	_ = 	snop  }
0x6: {  	_ = 	snop  }
0x7: {  	_ = 	snop  }
__scs_overlays_trampoline_lowered:
0x8: {  	[smem:$0x3FA9] =	sst s0  }
0x9: {  	[smem:$0x3FAA] =	sst s1  }
0xa: {  	[smem:$0x3FAB] =	sst s2  }
0xb: {  	[smem:$0x3FAC] =	sst s3  }
0xc: {  	[smem:$0x3FAD] =	sst s4  }
0xd: {  	[smem:$0x3FAE] =	sst s5  }
0xe: {  	[smem:$0x3FAF] =	sst s6  }
0xf: {  	[smem:$0x3FB0] =	sst s7  }
0x10: {  	[smem:$0x3FB1] =	sst s8  }
0x11: {  	[smem:$0x3FB2] =	sst s9;
	s0 =	simm.s32 @!p0 $0x0  }
0x12: {  	s1 =	sld [smem:$0x3F98];
	s0 =	simm.s32 @p0 $0x1  }
0x13: {  	[smem:$0x3FB3] =	sst s0;
	s0 =	simm.s32 @!p1 $0x0  }
0x14: {  	s2 =	sld [smem:$0x3F97];
	s0 =	simm.s32 @p1 $0x1  }
0x15: {  	[smem:$0x3FB4] =	sst s0;
	s0 =	simm.s32 @!p2 $0x0  }
0x16: {  	s3 =	sld [smem:$0x3FDB];
	s0 =	simm.s32 @p2 $0x1  }
0x17: {  	s4 =	simm.s32 $0x1BF5;
	[smem:$0x3FB6] =	sst s0  }
0x18: {  	s0 =	sld [smem:$0x3F99];
	_ =	swait.ge [sflag:s4], $0x0  }
0x19: {  	s7 =	sld [smem:$0x3F9A]  }
0x1a: {  	s8 =	sadd.s32 $0xFFFFE003, lr  }
0x1b: {  	s9 =	sadd.s32 $0xFFFFFEF7, lr;
	s5 =	simm.s32 $0xFFFFFFFF;
	p2 =	slt.u32 s8, $0xFFFFF086  }
0x1c: {  	p1 =	slt.u32 s9, $0xF7A;
	s5 =	simm.s32 @!p2 $0x0  }
0x1d: {  	s5 =	simm.s32 @p1 $0x1;
	p0 =	seq.s32 s7, s2  }
0x1e: {  	s7 =	smul.u32 @!p0 $0xF7A, s2;
	p2 =	seq.s32 @!p0 s5, $0x0  }
0x1f: {  	s9 =	smul.u32 $0xF7A, s1;
	s8 =	simm.s32 @!p0 $0x1BF5;
	p2 =	por !p2, p0  }
0x20: {  	[sflag:s8] =	ssyncset.s32 @!p0 $0xFFFFF086;
	s6 =	sadd.s32 @!p0 s3, s7;
	s7 =	simm.s32 @!p0 $0x108  }
0x21: {  	s3 =	sadd.s32 s3, s9;
	s6 =	sadd.s32 @!p0 $0x88, s6;
	s7 =	simm.s32 @p2 $0x1082  }
0x22: {  	[simem:s7], [sflag:s8] =	dma.local @!p0 [hbm:s6], $0xF7A  }
0x23: {  	s9 =	sor.u32 $0xD0000000, s2;
	s6 =	simm.s32 $0x108;
	_ =	swait.ge @!p0 [sflag:s8], $0x0  }
0x24: {  	s3 =	sadd.s32 $0x88, s3;
	s6 =	simm.s32 @!p1 $0x1082;
	[sflag:s4] =	ssyncset.s32 $0xFFFFF086  }
0x25: {  	[simem:s6], [sflag:s4] =	dma.local [hbm:s3], $0xF7A  }
0x26: {  	[smem:$0x3F9A] =	sst s1;
	(tag) =	ssettag s2;
	_ =	strace s9  }
0x27: {  	s1 =	sld [smem:$0x3FAA]  }
0x28: {  	s2 =	sld [smem:$0x3FAB]  }
0x29: {  	s4 =	sld [smem:$0x3FAD]  }
0x2a: {  	p0 =	seq.s32 s5, $0x0;
	s5 =	sld [smem:$0x3FAE]  }
0x2b: {  	s6 =	sld [smem:$0x3FAF]  }
0x2c: {  	s7 =	sld [smem:$0x3FB0]  }
0x2d: {  	s3 =	simm.s32 $0x108;
	s8 =	sld [smem:$0x3FB1]  }
0x2e: {  	s3 =	simm.s32 @!p0 $0x1082;
	s9 =	sld [smem:$0x3FB2]  }
0x2f: {  	lr =	sadd.s32 s0, s3;
	s0 =	sld [smem:$0x3FA9]  }
0x30: {  	s3 =	sld [smem:$0x3FAC]  }
0x31: {  	[smem:$0x3FB5] =	sst s10  }
0x32: {  	s10 =	sld [smem:$0x3FB3];
	_ =	sdelay $0x3  }
0x33: {  	p0 =	seq.s32 s10, $0x1;
	s10 =	sld [smem:$0x3FB5];
	_ =	sdelay $0x3  }
0x34: {  	[smem:$0x3FB5] =	sst s10  }
0x35: {  	s10 =	sld [smem:$0x3FB4];
	_ =	sdelay $0x3  }
0x36: {  	p1 =	seq.s32 s10, $0x1;
	s10 =	sld [smem:$0x3FB5];
	_ =	sdelay $0x3  }
0x37: {  	[smem:$0x3FB5] =	sst s10  }
0x38: {  	s10 =	sld [smem:$0x3FB6]  }
0x39: {  	_ = 	snop;
	(pc) =	sbr.ind lr, $3  }
0x3a: {  	_ = 	snop  }
0x3b: {  	_ = 	snop  }
0x3c: {  	p2 =	seq.s32 s10, $0x1;
	s10 =	sld [smem:$0x3FB5]  }
0x3d: {  	_ =	shalt  }
0x3e: {  	_ =	shalt  }
0x3f: {  	_ =	shalt  }
0x40: {  	_ =	shalt  }
0x41: {  	_ =	shalt  }
0x42: {  	_ =	shalt  }
0x43: {  	_ =	shalt  }
0x44: {  	_ =	shalt  }
0x45: {  	_ =	shalt  }
0x46: {  	_ =	shalt  }
0x47: {  	_ =	shalt  }
0x48: {  	_ =	shalt  }
0x49: {  	_ =	shalt  }
0x4a: {  	_ =	shalt  }
0x4b: {  	_ =	shalt  }
0x4c: {  	_ =	shalt  }
0x4d: {  	_ =	shalt  }
0x4e: {  	_ =	shalt  }
0x4f: {  	_ =	shalt  }
0x50: {  	_ =	shalt  }
0x51: {  	_ =	shalt  }
0x52: {  	_ =	shalt  }
0x53: {  	_ =	shalt  }
0x54: {  	_ =	shalt  }
0x55: {  	_ =	shalt  }
0x56: {  	_ =	shalt  }
0x57: {  	_ =	shalt  }
0x58: {  	_ =	shalt  }
0x59: {  	_ =	shalt  }
0x5a: {  	_ =	shalt  }
0x5b: {  	_ =	shalt  }
0x5c: {  	_ =	shalt  }
0x5d: {  	_ =	shalt  }
0x5e: {  	_ =	shalt  }
0x5f: {  	_ =	shalt  }
0x60: {  	_ =	shalt  }
0x61: {  	_ =	shalt  }
0x62: {  	_ =	shalt  }
0x63: {  	_ =	shalt  }
0x64: {  	_ =	shalt  }
0x65: {  	_ =	shalt  }
0x66: {  	_ =	shalt  }
0x67: {  	_ =	shalt  }
0x68: {  	_ =	shalt  }
0x69: {  	_ =	shalt  }
0x6a: {  	_ =	shalt  }
0x6b: {  	_ =	shalt  }
0x6c: {  	_ =	shalt  }
0x6d: {  	_ =	shalt  }
0x6e: {  	_ =	shalt  }
0x6f: {  	_ =	shalt  }
0x70: {  	_ =	shalt  }
0x71: {  	_ =	shalt  }
0x72: {  	_ =	shalt  }
0x73: {  	_ =	shalt  }
0x74: {  	_ =	shalt  }
0x75: {  	_ =	shalt  }
0x76: {  	_ =	shalt  }
0x77: {  	_ =	shalt  }
0x78: {  	_ =	shalt  }
0x79: {  	_ =	shalt  }
0x7a: {  	_ =	shalt  }
0x7b: {  	_ =	shalt  }
0x7c: {  	_ =	shalt  }
0x7d: {  	_ =	shalt  }
0x7e: {  	_ =	shalt  }
0x7f: {  	_ =	shalt  }
0x80: {  	_ =	shalt  }
0x81: {  	_ =	shalt  }
0x82: {  	_ =	shalt  }
0x83: {  	_ =	shalt  }
0x84: {  	_ =	shalt  }
0x85: {  	_ =	shalt  }
0x86: {  	_ =	shalt  }
0x87: {  	_ =	shalt  }
.Lfunc_end0:
.L_simem_size_0:
called_computation_lowered:
.L_overlay_start_0:
0x88: {  	s2 =	sld [smem:$0x3FD9]  }
0x89: {  	s3 =	sld [smem:$0x3FFE];
	_ =	sdelay $0x1  }
0x8a: {  	s1 =	srdreg.scid  }
0x8b: {  	s0 =	sand.u32 $0x1, s1  }
0x8c: {  	s17 =	sshll.u32 s0, $0xA;
	s2 =	sadd.s32 s3, s2  }
0x8d: {  	s2 =	sadd.s32 s2, s17  }
0x8e: {  	[smem:$0x3FC1] =	sst s2  }
0x8f: {  	_ = 	snop  }
0x90: {  	s2 =	sld [smem:$0x3FC9];
	(tm) =	ssettm $0x1  }
0x91: {  	s18 =	sld [smem:$0x3FFB];
	_ =	sdelay $0x3  }
0x92: {  	_ =	strace s18  }
0x93: {  	s3 =	sld [smem:$0x3FFC];
	_ =	sdelay $0x3  }
0x94: {  	_ =	strace s3  }
0x95: {  	s3 =	sld [smem:$0x3FFD];
	_ =	sdelay $0x3  }
0x96: {  	_ =	strace s3  }
0x97: {  	_ =	strace $0x8FFFFFFF  }
0x98: {  	s19 =	sld [smem:$0x3FDB];
	_ =	sdelay $0x1  }
0x99: {  	s4 =	simm.s32 $_scs_section_size  }
0x9a: {  	s5 =	simm.s32 $_size__tile_overlayer_lowered;
	s6 =	simm.s32 $_tile_overlayer_lowered  }
0x9b: {  	s22 =	simm.s32 $0x1BFF;
	s21 =	sshll.u32 s6, $0x1;
	s3 =	sadd.s32 s4, s19  }
0x9c: {  	s7 =	simm.s32 $0x0;
	s20 =	sshll.u32 s5, $0x1;
	s5 =	sadd.s32 s21, s3  }
0x9d: {  	[timem:s7], [sflag:s22] =	dma.local [hbm:s5], s20  }
0x9e: {  	_ =	swait.ge [sflag:s22], s20  }
0x9f: {  	s4 =	ssub.s32 $0x0, s20;
	[sflag:s22] =	ssyncset.done $0x0  }
0xa0: {  	[sflag:s22] =	ssyncadd.s32 s4;
	_ =	sdelay $0x1  }
0xa1: {  	s23 =	simm.s32 $0x1B8B  }
0xa2: {  	_ =	swait.ge [sflag:s23], $0x1  }
0xa3: {  	[sflag:s23] =	ssyncset.done $0x0  }
0xa4: {  	s25 =	simm.s32 $0x1B8E;
	s24 =	sld [smem:$0x3FFE];
	[sflag:s23] =	ssyncadd.s32 $0xFFFFFFFF  }
0xa5: {  	s26 =	simm.s32 $execute0_lowered;
	[smem:$0x3FD2] =	sst s25  }
0xa6: {  	s5 =	sshll.u32 s26, $0x1;
	_ =	strace $0x80000046;
	[dreg:$0x1] =	wrdreg $0xFFFFFFFF  }
0xa7: {  	s28 =	simm.s32 $_size_execute0_lowered;
	s3 =	sadd.s32 s3, s5;
	[dreg:$0x0] =	wrdreg $0x0  }
0xa8: {  	s5 =	sshll.u32 s28, $0x1;
	[dreg:$0x2] =	wrdreg s3  }
0xa9: {  	[dreg:$0x3] =	wrdreg s5  }
0xaa: {  	[dreg:$0x4] =	wrdreg $0xC0  }
0xab: {  	_ =	task [dreg:s7], $0x5FFFF  }
0xac: {  	[dreg:$0x1] =	wrdreg $0xFFFFFFFF  }
0xad: {  	[dreg:$0x0] =	wrdreg $0x60  }
0xae: {  	[dreg:$0x2] =	wrdreg s2  }
0xaf: {  	[dreg:$0x3] =	wrdreg s24  }
0xb0: {  	[dreg:$0x4] =	wrdreg $0x9  }
0xb1: {  	_ =	task.clear_ibuf [dreg:s7], $0x5FFFF;
	_ =	strace $0x90000046  }
0xb2: {  	s29 =	simm.s32 $0x9;
	_ =	strace $0x80000048  }
0xb3: {  	_ =	swait.ge [sflag:s29], $0x1  }
0xb4: {  	[sflag:s29] =	ssyncadd.s32 $0xFFFFFFFF  }
0xb5: {  	_ =	strace $0x90000048  }
0xb6: {  	_ =	sfence  }
0xb7: {  	s30 =	sld [smem:$0x0];
	_ =	sdelay $0x2  }
0xb8: {  	s31 =	sshll.u32 s1, $0xD;
	s1 =	sshrl.u32 s1, $0x2  }
0xb9: {  	s3 =	sand.u32 $0x4000, s31;
	s1 =	sadd.s32 s1, s30  }
0xba: {  	s0 =	sor.u32 s3, s0;
	s1 =	sshll.u32 s1, $0x11  }
0xbb: {  	s0 =	sor.u32 s1, s0  }
0xbc: {  	s0 =	sadd.s32 $0x8F2B, s0  }
0xbd: {  	[sflag:s0] =	ssyncadd.remote.s32 $0x1  }
0xbe: {  	_ =	sfence.sel $0xFFFF  }
0xbf: {  	[dreg:$0x0] =	wrdreg $0xFFFFFFFF;
	(pc) =	sbr.abs _section_cstart, $3  }
0xc0: {  	[dreg:$0x1] =	wrdreg $0xFFFFFFFF  }
0xc1: {  	_ =	task.clear_ibuf [dreg:s7], $0x2FFFF;
	_ =	strace $0x9FFFFFFF  }
0xc2: {  	(tm) =	ssettm $0x7FFFFFFF  }
0xc3: {  	_ =	shalt  }
tec
execute0_lowered:
.L_overlay_start_1:
0x0: {  	(tag) =	ssettag $0x1  }
0x1: {  	s1 =	srdreg.scid  }
0x2: {  	s0 =	stileid.u32;
	s3 =	rddreg [dreg:$0x0]  }
0x3: {  	s6 =	rddreg [dreg:$0x1];
	s18 =	simm.s32 $0x880;
	s19 =	simm.s32 $0x1080  }
0x4: {  	s20 =	simm.s32 $0x1880;
	s22 =	simm.s32 $0x2080;
	s23 =	simm.s32 $0x2880  }
0x5: {  	s7 =	simm.s32 $0x3080;
	s24 =	simm.s32 $0x3880;
	s8 =	simm.s32 $0x4080  }
0x6: {  	s25 =	simm.s32 $0x4880;
	s26 =	simm.s32 $0x5080;
	s1 =	sand.u32 $0x1, s1  }
0x7: {  	s9 =	simm.s32 $0x80;
	s2 =	sshll.u32 s0, $0x7;
	s4 =	sshll.u32 s1, $0x6  }
0x8: {  	s11 =	simm.s32 $0x6080;
	s4 =	sor.u32 s4, s2;
	s2 =	simm.s32 $0x0  }
0x9: {  	s12 =	simm.s32 $0x6880;
	s13 =	simm.s32 $0x7080;
	[smem:$0x7FF] =	sst s2  }
0xa: {  	s14 =	simm.s32 $0x7880;
	_ =	strace $0x80000047;
	[dreg:$0x5] =	wrdreg s18  }
0xb: {  	s15 =	simm.s32 $0x8080;
	s16 =	simm.s32 $0x8880;
	[dreg:$0x6] =	wrdreg s19  }
0xc: {  	s17 =	simm.s32 $0x9080;
	s28 =	simm.s32 $0xE080;
	[dreg:$0x7] =	wrdreg s20  }
0xd: {  	s29 =	simm.s32 $0xE880;
	s30 =	simm.s32 $0xF080;
	[dreg:$0x8] =	wrdreg s22  }
0xe: {  	s31 =	simm.s32 $0xF880;
	s1 =	ssub.s32 $0x2, s1;
	[dreg:$0x9] =	wrdreg s23  }
0xf: {  	s21 =	sshrl.u32 s1, $0x1;
	s5 =	sshrl.u32 s4, $0x3;
	[dreg:$0xa] =	wrdreg s7  }
0x10: {  	s4 =	sshll.u32 s4, $0x7;
	s1 =	ssub.s32 s1, s21;
	[dreg:$0xb] =	wrdreg s24  }
0x11: {  	s21 =	simm.s32 $0xB080;
	s5 =	sadd.s32 s5, s6;
	[dreg:$0xc] =	wrdreg s8  }
0x12: {  	s3 =	sadd.s32 s3, s4;
	s4 =	sadd.s32 $0x1500, s6;
	[dreg:$0xd] =	wrdreg s25  }
0x13: {  	s7 =	smax.u32 s1, $0x1;
	s8 =	simm.s32 $0x2;
	[dreg:$0xe] =	wrdreg s26  }
0x14: {  	s18 =	simm.s32 $0x9880;
	s19 =	simm.s32 $0xA080;
	s20 =	simm.s32 $0xA880  }
0x15: {  	s22 =	simm.s32 $0xB880;
	s23 =	simm.s32 $0xC080;
	s24 =	simm.s32 $0xC880  }
0x16: {  	v2 =	vlaneseq.u32;
	s25 =	simm.s32 $0xD080;
	s26 =	simm.s32 $0xD880;
	s1 =	simm.s32 $0x1  }
0x17: {  	vm0 =	vmmov $0xffff;
	v1 =	vshrl.u32 v2, $0x3;
	s5 =	sadd.s32 $0x1200, s5;
	[dreg:$0x4] =	wrdreg s3;
	s3 =	sadd.s32 $0x1400, s6  }
0x18: {  	v0 =	vand.u32 $0x7, v2;
	v2 =	vor.u32 $0x8, v2;
	v1 =	vmul.u32 $0x8, v1;
	[dreg:$0x3] =	wrdreg s5;
	s5 =	sadd.s32 $0x1600, s6;
	s6 =	sadd.s32 $0x1700, s6  }
.LBB2_1:
0x19: {  	s0 =	rddreg [dreg:$0x3]  }
0x1a: {  	[tilespmem:s2], [sflag:$0x2] =	stream.linear.gather [hbm4b:s0+s2], $0x40, $0x38;
	[tilespmem:$0x10080] =	vst v63  }
0x1b: {  	_ =	swait.ge [sflag:s8], $0x40  }
0x1c: {  	[sflag:s8] =	ssyncset.done $0x0  }
0x1d: {  	s10 =	rddreg [dreg:$0x4];
	[sflag:s8] =	ssyncadd.s32 $0xFFFFFFC0  }
0x1e: {  	[tilespmem:s9], [sflag:$0x2] =	stream.linear.gather [hbm4b:s10+s2], $0x10000, $0x38;
	[tilespmem:$0x10080] =	vst v63  }
0x1f: {  	_ =	swait.ge [sflag:s8], $0x10000  }
0x20: {  	[sflag:s8] =	ssyncset.done $0x0  }
0x21: {  	[sflag:s8] =	ssyncadd.s32 $0xFFFF0000  }
0x22: {  	v3 =	vld [tilespmem:$0x0];
	_ =	sdelay $0x4  }
0x23: {  	v4 =	vshll.u32 v3, $0x3  }
0x24: {  	v3 =	vand.u32 $0x7, v3;
	v4 =	vand.u32 $0xFFFFFFC0, v4  }
0x25: {  	v3 =	vor.u32 v3, v4  }
0x26: {  	v4 =	vperm.xlane v3, v0;
	_ =	sdelay $0x1  }
0x27: {  	v4 =	vadd.s32 v1, v4;
	_ =	sdelay $0x4  }
0x28: {  	[hbm4b:s3+s2] =	stream.indirect_vreg.scatter [tilespmem:s9], [sflag:$0x1], $0x80, v4, vm0, $0xb8;
	[tilespmem:$0x10080] =	vst v63  }
0x29: {  	s0 =	rddreg [dreg:$0x5];
	v3 =	vperm.xlane v3, v2  }
0x2a: {  	[hbm4b:s4+s2] =	stream.indirect_vreg.scatter [tilespmem:s0], [sflag:$0x1], $0x80, v4, vm0, $0xb8;
	[tilespmem:$0x10080] =	vst v63  }
0x2b: {  	s10 =	rddreg [dreg:$0x6];
	v3 =	vadd.s32 v1, v3  }
0x2c: {  	[hbm4b:s5+s2] =	stream.indirect_vreg.scatter [tilespmem:s10], [sflag:$0x1], $0x80, v4, vm0, $0xb8;
	[tilespmem:$0x10080] =	vst v63  }
0x2d: {  	s0 =	rddreg [dreg:$0x7]  }
0x2e: {  	[hbm4b:s6+s2] =	stream.indirect_vreg.scatter [tilespmem:s0], [sflag:$0x1], $0x80, v4, vm0, $0xb8;
	[tilespmem:$0x10080] =	vst v63  }
0x2f: {  	s10 =	rddreg [dreg:$0x8]  }
0x30: {  	[hbm4b:s3+s2] =	stream.indirect_vreg.scatter [tilespmem:s10], [sflag:$0x1], $0x80, v3, vm0, $0xb8;
	[tilespmem:$0x10080] =	vst v63  }
0x31: {  	s0 =	rddreg [dreg:$0x9]  }
0x32: {  	[hbm4b:s4+s2] =	stream.indirect_vreg.scatter [tilespmem:s0], [sflag:$0x1], $0x80, v3, vm0, $0xb8;
	[tilespmem:$0x10080] =	vst v63  }
0x33: {  	s10 =	rddreg [dreg:$0xa]  }
0x34: {  	[hbm4b:s5+s2] =	stream.indirect_vreg.scatter [tilespmem:s10], [sflag:$0x1], $0x80, v3, vm0, $0xb8;
	[tilespmem:$0x10080] =	vst v63  }
0x35: {  	s0 =	rddreg [dreg:$0xb]  }
0x36: {  	[hbm4b:s6+s2] =	stream.indirect_vreg.scatter [tilespmem:s0], [sflag:$0x1], $0x80, v3, vm0, $0xb8;
	[tilespmem:$0x10080] =	vst v63  }
0x37: {  	v3 =	vld [tilespmem:$0x10];
	_ =	sdelay $0x4  }
0x38: {  	v61 =	vshll.u32 v3, $0x3  }
0x39: {  	v3 =	vand.u32 $0x7, v3;
	v4 =	vand.u32 $0xFFFFFFC0, v61  }
0x3a: {  	v3 =	vor.u32 v3, v4  }
0x3b: {  	v4 =	vperm.xlane v3, v0;
	_ =	sdelay $0x1  }
0x3c: {  	v4 =	vadd.s32 v1, v4;
	_ =	sdelay $0x3  }
0x3d: {  	s0 =	rddreg [dreg:$0xc]  }
0x3e: {  	[hbm4b:s3+s2] =	stream.indirect_vreg.scatter [tilespmem:s0], [sflag:$0x1], $0x80, v4, vm0, $0xb8;
	[tilespmem:$0x10080] =	vst v63  }
0x3f: {  	s10 =	rddreg [dreg:$0xd];
	v3 =	vperm.xlane v3, v2  }
0x40: {  	[hbm4b:s4+s2] =	stream.indirect_vreg.scatter [tilespmem:s10], [sflag:$0x1], $0x80, v4, vm0, $0xb8;
	[tilespmem:$0x10080] =	vst v63  }
0x41: {  	v3 =	vadd.s32 v1, v3;
	s0 =	rddreg [dreg:$0xe]  }
0x42: {  	[hbm4b:s5+s2] =	stream.indirect_vreg.scatter [tilespmem:s0], [sflag:$0x1], $0x80, v4, vm0, $0xb8;
	[tilespmem:$0x10080] =	vst v63  }
0x43: {  	s10 =	simm.s32 $0x5880  }
0x44: {  	[hbm4b:s6+s2] =	stream.indirect_vreg.scatter [tilespmem:s10], [sflag:$0x1], $0x80, v4, vm0, $0xb8;
	[tilespmem:$0x10080] =	vst v63  }
0x45: {  	_ = 	snop  }
0x46: {  	[hbm4b:s3+s2] =	stream.indirect_vreg.scatter [tilespmem:s11], [sflag:$0x1], $0x80, v3, vm0, $0xb8;
	[tilespmem:$0x10080] =	vst v63  }
0x47: {  	_ = 	snop  }
0x48: {  	[hbm4b:s4+s2] =	stream.indirect_vreg.scatter [tilespmem:s12], [sflag:$0x1], $0x80, v3, vm0, $0xb8;
	[tilespmem:$0x10080] =	vst v63  }
0x49: {  	_ = 	snop  }
0x4a: {  	[hbm4b:s5+s2] =	stream.indirect_vreg.scatter [tilespmem:s13], [sflag:$0x1], $0x80, v3, vm0, $0xb8;
	[tilespmem:$0x10080] =	vst v63  }
0x4b: {  	_ = 	snop  }
0x4c: {  	[hbm4b:s6+s2] =	stream.indirect_vreg.scatter [tilespmem:s14], [sflag:$0x1], $0x80, v3, vm0, $0xb8;
	[tilespmem:$0x10080] =	vst v63  }
0x4d: {  	v3 =	vld [tilespmem:$0x20];
	_ =	sdelay $0x4  }
0x4e: {  	v62 =	vshll.u32 v3, $0x3  }
0x4f: {  	v3 =	vand.u32 $0x7, v3;
	v4 =	vand.u32 $0xFFFFFFC0, v62  }
0x50: {  	v3 =	vor.u32 v3, v4  }
0x51: {  	v4 =	vperm.xlane v3, v0;
	_ =	sdelay $0x1  }
0x52: {  	v4 =	vadd.s32 v1, v4;
	_ =	sdelay $0x4  }
0x53: {  	[hbm4b:s3+s2] =	stream.indirect_vreg.scatter [tilespmem:s15], [sflag:$0x1], $0x80, v4, vm0, $0xb8;
	[tilespmem:$0x10080] =	vst v63  }
0x54: {  	v3 =	vperm.xlane v3, v2  }
0x55: {  	[hbm4b:s4+s2] =	stream.indirect_vreg.scatter [tilespmem:s16], [sflag:$0x1], $0x80, v4, vm0, $0xb8;
	[tilespmem:$0x10080] =	vst v63  }
0x56: {  	v3 =	vadd.s32 v1, v3  }
0x57: {  	[hbm4b:s5+s2] =	stream.indirect_vreg.scatter [tilespmem:s17], [sflag:$0x1], $0x80, v4, vm0, $0xb8;
	[tilespmem:$0x10080] =	vst v63  }
0x58: {  	_ = 	snop  }
0x59: {  	[hbm4b:s6+s2] =	stream.indirect_vreg.scatter [tilespmem:s18], [sflag:$0x1], $0x80, v4, vm0, $0xb8;
	[tilespmem:$0x10080] =	vst v63  }
0x5a: {  	_ = 	snop  }
0x5b: {  	[hbm4b:s3+s2] =	stream.indirect_vreg.scatter [tilespmem:s19], [sflag:$0x1], $0x80, v3, vm0, $0xb8;
	[tilespmem:$0x10080] =	vst v63  }
0x5c: {  	_ = 	snop  }
0x5d: {  	[hbm4b:s4+s2] =	stream.indirect_vreg.scatter [tilespmem:s20], [sflag:$0x1], $0x80, v3, vm0, $0xb8;
	[tilespmem:$0x10080] =	vst v63  }
0x5e: {  	_ = 	snop  }
0x5f: {  	[hbm4b:s5+s2] =	stream.indirect_vreg.scatter [tilespmem:s21], [sflag:$0x1], $0x80, v3, vm0, $0xb8;
	[tilespmem:$0x10080] =	vst v63  }
0x60: {  	_ = 	snop  }
0x61: {  	[hbm4b:s6+s2] =	stream.indirect_vreg.scatter [tilespmem:s22], [sflag:$0x1], $0x80, v3, vm0, $0xb8;
	[tilespmem:$0x10080] =	vst v63  }
0x62: {  	v3 =	vld [tilespmem:$0x30];
	_ =	sdelay $0x4  }
0x63: {  	v63 =	vshll.u32 v3, $0x3  }
0x64: {  	v3 =	vand.u32 $0x7, v3;
	v4 =	vand.u32 $0xFFFFFFC0, v63  }
0x65: {  	v3 =	vor.u32 v3, v4  }
0x66: {  	v4 =	vperm.xlane v3, v0;
	_ =	sdelay $0x1  }
0x67: {  	v4 =	vadd.s32 v1, v4;
	_ =	sdelay $0x4  }
0x68: {  	[hbm4b:s3+s2] =	stream.indirect_vreg.scatter [tilespmem:s23], [sflag:$0x1], $0x80, v4, vm0, $0xb8;
	[tilespmem:$0x10080] =	vst v63  }
0x69: {  	v3 =	vperm.xlane v3, v2  }
0x6a: {  	[hbm4b:s4+s2] =	stream.indirect_vreg.scatter [tilespmem:s24], [sflag:$0x1], $0x80, v4, vm0, $0xb8;
	[tilespmem:$0x10080] =	vst v63  }
0x6b: {  	v3 =	vadd.s32 v1, v3  }
0x6c: {  	[hbm4b:s5+s2] =	stream.indirect_vreg.scatter [tilespmem:s25], [sflag:$0x1], $0x80, v4, vm0, $0xb8;
	[tilespmem:$0x10080] =	vst v63  }
0x6d: {  	_ = 	snop  }
0x6e: {  	[hbm4b:s6+s2] =	stream.indirect_vreg.scatter [tilespmem:s26], [sflag:$0x1], $0x80, v4, vm0, $0xb8;
	[tilespmem:$0x10080] =	vst v63  }
0x6f: {  	_ = 	snop  }
0x70: {  	[hbm4b:s3+s2] =	stream.indirect_vreg.scatter [tilespmem:s28], [sflag:$0x1], $0x80, v3, vm0, $0xb8;
	[tilespmem:$0x10080] =	vst v63  }
0x71: {  	_ = 	snop  }
0x72: {  	[hbm4b:s4+s2] =	stream.indirect_vreg.scatter [tilespmem:s29], [sflag:$0x1], $0x80, v3, vm0, $0xb8;
	[tilespmem:$0x10080] =	vst v63  }
0x73: {  	p0 =	sne.s32 s7, $0x1  }
0x74: {  	[hbm4b:s5+s2] =	stream.indirect_vreg.scatter [tilespmem:s30], [sflag:$0x1], $0x80, v3, vm0, $0xb8;
	[tilespmem:$0x10080] =	vst v63  }
.Ltmp0:
0x75: {  	_ = 	snop;
	(pc) =	sbr.rel @p0 .LBB2_1-.Ltmp0, $4  }
0x76: {  	[hbm4b:s6+s2] =	stream.indirect_vreg.scatter [tilespmem:s31], [sflag:$0x1], $0x80, v3, vm0, $0xb8;
	[tilespmem:$0x10080] =	vst v63  }
0x77: {  	_ =	swait.ge [sflag:s1], $0x10000  }
0x78: {  	[sflag:s1] =	ssyncset.done $0x0  }
0x79: {  	s7 =	sadd.s32 $0xFFFFFFFF, s7;
	[sflag:s1] =	ssyncadd.s32 $0xFFFF0000  }
0x7a: {  	_ =	sfence.sel $0x180000  }
0x7b: {  	[bflag:$0x0] =	sbarrier.arrive $0xFFFF  }
0x7c: {  	_ =	strace $0x90000047  }
0x7d: {  	s0 =	stileid.u32;
	[bflag:$0x2] =	sbarrier.arrive $0xFFFF  }
0x7e: {  	p0 =	sne.s32 s0, $0x0;
	s0 =	rddreg [dreg:$0x2]  }
0x7f: {  	s0 =	sadd.s32 @!p0 $0x100000, s0  }
0x80: {  	[sflag:s0] =	ssyncadd.tile.s32 @!p0 $0x1;
	_ =	shalt  }
.Lfunc_end2:
_tile_overlayer_lowered:
.L_overlay_start_2:
0x81: {  	(tag) =	ssettag $0x2  }
0x82: {  	s0 =	rddreg [dreg:$0x0];
	s2 =	stileid.u32  }
0x83: {  	s1 =	rddreg [dreg:$0x1];
	p0 =	sne.s32 s2, $0x0  }
0x84: {  	s3 =	rddreg [dreg:$0x2];
	[bflag:$0x3] =	sbarrier.arrive $0xFFFF;
	s2 =	simm.s32 @!p0 $0x1C02  }
0x85: {  	[timem:s3], [sflag:s2] =	dma.local @!p0 [hbm:s0], s1  }
0x86: {  	s0 =	simm.s32 @!p0 $0x2  }
0x87: {  	_ =	swait.ge @!p0 [sflag:s0], s1  }
0x88: {  	s1 =	ssub.s32 @!p0 $0x0, s1;
	[sflag:s0] =	ssyncset.done @!p0 $0x0  }
0x89: {  	[sflag:s0] =	ssyncadd.s32 @!p0 s1  }
0x8a: {  	[bflag:$0x3] =	sbarrier.arrive $0xFFFF  }
0x8b: {  	_ =	shalt  }

// kernel: kernel.9.cloned.1.call-start
scs
__scs_entry_jumppad:
0x0: {  	(pc) =	sbr.rel $0x88, $3  }
0x1: {  	(tag) =	ssettag $0x0;
	lr =	simm.s32 $0x1  }
0x2: {  	[smem:$0x3F9A] =	sst lr;
	_ =	strace $0xD0000000  }
0x3: {  	_ = 	snop  }
0x4: {  	_ = 	snop  }
0x5: {  	_ = 	snop  }
0x6: {  	_ = 	snop  }
0x7: {  	_ = 	snop  }
__scs_overlays_trampoline_lowered:
0x8: {  	[smem:$0x3FA9] =	sst s0  }
0x9: {  	[smem:$0x3FAA] =	sst s1  }
0xa: {  	[smem:$0x3FAB] =	sst s2  }
0xb: {  	[smem:$0x3FAC] =	sst s3  }
0xc: {  	[smem:$0x3FAD] =	sst s4  }
0xd: {  	[smem:$0x3FAE] =	sst s5  }
0xe: {  	[smem:$0x3FAF] =	sst s6  }
0xf: {  	[smem:$0x3FB0] =	sst s7  }
0x10: {  	[smem:$0x3FB1] =	sst s8  }
0x11: {  	[smem:$0x3FB2] =	sst s9;
	s0 =	simm.s32 @!p0 $0x0  }
0x12: {  	s1 =	sld [smem:$0x3F98];
	s0 =	simm.s32 @p0 $0x1  }
0x13: {  	[smem:$0x3FB3] =	sst s0;
	s0 =	simm.s32 @!p1 $0x0  }
0x14: {  	s2 =	sld [smem:$0x3F97];
	s0 =	simm.s32 @p1 $0x1  }
0x15: {  	[smem:$0x3FB4] =	sst s0;
	s0 =	simm.s32 @!p2 $0x0  }
0x16: {  	s3 =	sld [smem:$0x3FDB];
	s0 =	simm.s32 @p2 $0x1  }
0x17: {  	s4 =	simm.s32 $0x1BF5;
	[smem:$0x3FB6] =	sst s0  }
0x18: {  	s0 =	sld [smem:$0x3F99];
	_ =	swait.ge [sflag:s4], $0x0  }
0x19: {  	s7 =	sld [smem:$0x3F9A]  }
0x1a: {  	s8 =	sadd.s32 $0xFFFFE003, lr  }
0x1b: {  	s9 =	sadd.s32 $0xFFFFFEF7, lr;
	s5 =	simm.s32 $0xFFFFFFFF;
	p2 =	slt.u32 s8, $0xFFFFF086  }
0x1c: {  	p1 =	slt.u32 s9, $0xF7A;
	s5 =	simm.s32 @!p2 $0x0  }
0x1d: {  	s5 =	simm.s32 @p1 $0x1;
	p0 =	seq.s32 s7, s2  }
0x1e: {  	s7 =	smul.u32 @!p0 $0xF7A, s2;
	p2 =	seq.s32 @!p0 s5, $0x0  }
0x1f: {  	s9 =	smul.u32 $0xF7A, s1;
	s8 =	simm.s32 @!p0 $0x1BF5;
	p2 =	por !p2, p0  }
0x20: {  	[sflag:s8] =	ssyncset.s32 @!p0 $0xFFFFF086;
	s6 =	sadd.s32 @!p0 s3, s7;
	s7 =	simm.s32 @!p0 $0x108  }
0x21: {  	s3 =	sadd.s32 s3, s9;
	s6 =	sadd.s32 @!p0 $0x88, s6;
	s7 =	simm.s32 @p2 $0x1082  }
0x22: {  	[simem:s7], [sflag:s8] =	dma.local @!p0 [hbm:s6], $0xF7A  }
0x23: {  	s9 =	sor.u32 $0xD0000000, s2;
	s6 =	simm.s32 $0x108;
	_ =	swait.ge @!p0 [sflag:s8], $0x0  }
0x24: {  	s3 =	sadd.s32 $0x88, s3;
	s6 =	simm.s32 @!p1 $0x1082;
	[sflag:s4] =	ssyncset.s32 $0xFFFFF086  }
0x25: {  	[simem:s6], [sflag:s4] =	dma.local [hbm:s3], $0xF7A  }
0x26: {  	[smem:$0x3F9A] =	sst s1;
	(tag) =	ssettag s2;
	_ =	strace s9  }
0x27: {  	s1 =	sld [smem:$0x3FAA]  }
0x28: {  	s2 =	sld [smem:$0x3FAB]  }
0x29: {  	s4 =	sld [smem:$0x3FAD]  }
0x2a: {  	p0 =	seq.s32 s5, $0x0;
	s5 =	sld [smem:$0x3FAE]  }
0x2b: {  	s6 =	sld [smem:$0x3FAF]  }
0x2c: {  	s7 =	sld [smem:$0x3FB0]  }
0x2d: {  	s3 =	simm.s32 $0x108;
	s8 =	sld [smem:$0x3FB1]  }
0x2e: {  	s3 =	simm.s32 @!p0 $0x1082;
	s9 =	sld [smem:$0x3FB2]  }
0x2f: {  	lr =	sadd.s32 s0, s3;
	s0 =	sld [smem:$0x3FA9]  }
0x30: {  	s3 =	sld [smem:$0x3FAC]  }
0x31: {  	[smem:$0x3FB5] =	sst s10  }
0x32: {  	s10 =	sld [smem:$0x3FB3];
	_ =	sdelay $0x3  }
0x33: {  	p0 =	seq.s32 s10, $0x1;
	s10 =	sld [smem:$0x3FB5];
	_ =	sdelay $0x3  }
0x34: {  	[smem:$0x3FB5] =	sst s10  }
0x35: {  	s10 =	sld [smem:$0x3FB4];
	_ =	sdelay $0x3  }
0x36: {  	p1 =	seq.s32 s10, $0x1;
	s10 =	sld [smem:$0x3FB5];
	_ =	sdelay $0x3  }
0x37: {  	[smem:$0x3FB5] =	sst s10  }
0x38: {  	s10 =	sld [smem:$0x3FB6]  }
0x39: {  	_ = 	snop;
	(pc) =	sbr.ind lr, $3  }
0x3a: {  	_ = 	snop  }
0x3b: {  	_ = 	snop  }
0x3c: {  	p2 =	seq.s32 s10, $0x1;
	s10 =	sld [smem:$0x3FB5]  }
0x3d: {  	_ =	shalt  }
0x3e: {  	_ =	shalt  }
0x3f: {  	_ =	shalt  }
0x40: {  	_ =	shalt  }
0x41: {  	_ =	shalt  }
0x42: {  	_ =	shalt  }
0x43: {  	_ =	shalt  }
0x44: {  	_ =	shalt  }
0x45: {  	_ =	shalt  }
0x46: {  	_ =	shalt  }
0x47: {  	_ =	shalt  }
0x48: {  	_ =	shalt  }
0x49: {  	_ =	shalt  }
0x4a: {  	_ =	shalt  }
0x4b: {  	_ =	shalt  }
0x4c: {  	_ =	shalt  }
0x4d: {  	_ =	shalt  }
0x4e: {  	_ =	shalt  }
0x4f: {  	_ =	shalt  }
0x50: {  	_ =	shalt  }
0x51: {  	_ =	shalt  }
0x52: {  	_ =	shalt  }
0x53: {  	_ =	shalt  }
0x54: {  	_ =	shalt  }
0x55: {  	_ =	shalt  }
0x56: {  	_ =	shalt  }
0x57: {  	_ =	shalt  }
0x58: {  	_ =	shalt  }
0x59: {  	_ =	shalt  }
0x5a: {  	_ =	shalt  }
0x5b: {  	_ =	shalt  }
0x5c: {  	_ =	shalt  }
0x5d: {  	_ =	shalt  }
0x5e: {  	_ =	shalt  }
0x5f: {  	_ =	shalt  }
0x60: {  	_ =	shalt  }
0x61: {  	_ =	shalt  }
0x62: {  	_ =	shalt  }
0x63: {  	_ =	shalt  }
0x64: {  	_ =	shalt  }
0x65: {  	_ =	shalt  }
0x66: {  	_ =	shalt  }
0x67: {  	_ =	shalt  }
0x68: {  	_ =	shalt  }
0x69: {  	_ =	shalt  }
0x6a: {  	_ =	shalt  }
0x6b: {  	_ =	shalt  }
0x6c: {  	_ =	shalt  }
0x6d: {  	_ =	shalt  }
0x6e: {  	_ =	shalt  }
0x6f: {  	_ =	shalt  }
0x70: {  	_ =	shalt  }
0x71: {  	_ =	shalt  }
0x72: {  	_ =	shalt  }
0x73: {  	_ =	shalt  }
0x74: {  	_ =	shalt  }
0x75: {  	_ =	shalt  }
0x76: {  	_ =	shalt  }
0x77: {  	_ =	shalt  }
0x78: {  	_ =	shalt  }
0x79: {  	_ =	shalt  }
0x7a: {  	_ =	shalt  }
0x7b: {  	_ =	shalt  }
0x7c: {  	_ =	shalt  }
0x7d: {  	_ =	shalt  }
0x7e: {  	_ =	shalt  }
0x7f: {  	_ =	shalt  }
0x80: {  	_ =	shalt  }
0x81: {  	_ =	shalt  }
0x82: {  	_ =	shalt  }
0x83: {  	_ =	shalt  }
0x84: {  	_ =	shalt  }
0x85: {  	_ =	shalt  }
0x86: {  	_ =	shalt  }
0x87: {  	_ =	shalt  }
.Lfunc_end0:
.L_simem_size_0:
called_computation.1_lowered:
.L_overlay_start_0:
0x88: {  	s2 =	sld [smem:$0x3FD9]  }
0x89: {  	s3 =	sld [smem:$0x3FFE];
	_ =	sdelay $0x1  }
0x8a: {  	s1 =	srdreg.scid  }
0x8b: {  	s0 =	sand.u32 $0x1, s1  }
0x8c: {  	s17 =	sshll.u32 s0, $0xA;
	s2 =	sadd.s32 s3, s2  }
0x8d: {  	s2 =	sadd.s32 s2, s17  }
0x8e: {  	[smem:$0x3FC1] =	sst s2  }
0x8f: {  	_ = 	snop  }
0x90: {  	s2 =	sld [smem:$0x3FD0];
	(tm) =	ssettm $0x1  }
0x91: {  	s18 =	sld [smem:$0x3FFB];
	_ =	sdelay $0x3  }
0x92: {  	_ =	strace s18  }
0x93: {  	s3 =	sld [smem:$0x3FFC];
	_ =	sdelay $0x3  }
0x94: {  	_ =	strace s3  }
0x95: {  	s3 =	sld [smem:$0x3FFD];
	_ =	sdelay $0x3  }
0x96: {  	_ =	strace s3  }
0x97: {  	_ =	strace $0x8FFFFFFF  }
0x98: {  	s19 =	sld [smem:$0x3FDB];
	_ =	sdelay $0x1  }
0x99: {  	s4 =	simm.s32 $_scs_section_size  }
0x9a: {  	s5 =	simm.s32 $_size__tile_overlayer_lowered;
	s6 =	simm.s32 $_tile_overlayer_lowered  }
0x9b: {  	s22 =	simm.s32 $0x1BFF;
	s21 =	sshll.u32 s6, $0x1;
	s3 =	sadd.s32 s4, s19  }
0x9c: {  	s7 =	simm.s32 $0x0;
	s20 =	sshll.u32 s5, $0x1;
	s5 =	sadd.s32 s21, s3  }
0x9d: {  	[timem:s7], [sflag:s22] =	dma.local [hbm:s5], s20  }
0x9e: {  	_ =	swait.ge [sflag:s22], s20  }
0x9f: {  	s4 =	ssub.s32 $0x0, s20;
	[sflag:s22] =	ssyncset.done $0x0  }
0xa0: {  	[sflag:s22] =	ssyncadd.s32 s4;
	_ =	sdelay $0x1  }
0xa1: {  	s23 =	simm.s32 $0x1B8B  }
0xa2: {  	_ =	swait.ge [sflag:s23], $0x1  }
0xa3: {  	[sflag:s23] =	ssyncset.done $0x0  }
0xa4: {  	s25 =	simm.s32 $0x1B8E;
	s24 =	sld [smem:$0x3FFE];
	[sflag:s23] =	ssyncadd.s32 $0xFFFFFFFF  }
0xa5: {  	s26 =	simm.s32 $execute0_lowered;
	[smem:$0x3FD2] =	sst s25  }
0xa6: {  	s5 =	sshll.u32 s26, $0x1;
	_ =	strace $0x80000049;
	[dreg:$0x1] =	wrdreg $0xFFFFFFFF  }
0xa7: {  	s28 =	simm.s32 $_size_execute0_lowered;
	s3 =	sadd.s32 s3, s5;
	[dreg:$0x0] =	wrdreg $0x0  }
0xa8: {  	s5 =	sshll.u32 s28, $0x1;
	[dreg:$0x2] =	wrdreg s3  }
0xa9: {  	[dreg:$0x3] =	wrdreg s5  }
0xaa: {  	[dreg:$0x4] =	wrdreg $0xC0  }
0xab: {  	_ =	task [dreg:s7], $0x5FFFF  }
0xac: {  	[dreg:$0x1] =	wrdreg $0xFFFFFFFF  }
0xad: {  	[dreg:$0x0] =	wrdreg $0x60  }
0xae: {  	[dreg:$0x2] =	wrdreg s24  }
0xaf: {  	[dreg:$0x3] =	wrdreg s2  }
0xb0: {  	[dreg:$0x4] =	wrdreg $0x9  }
0xb1: {  	_ =	task.clear_ibuf [dreg:s7], $0x5FFFF;
	_ =	strace $0x90000049  }
0xb2: {  	s29 =	simm.s32 $0x9;
	_ =	strace $0x8000004B  }
0xb3: {  	_ =	swait.ge [sflag:s29], $0x1  }
0xb4: {  	[sflag:s29] =	ssyncadd.s32 $0xFFFFFFFF  }
0xb5: {  	_ =	strace $0x9000004B  }
0xb6: {  	_ =	sfence  }
0xb7: {  	s30 =	sld [smem:$0x0];
	_ =	sdelay $0x2  }
0xb8: {  	s31 =	sshll.u32 s1, $0xD;
	s1 =	sshrl.u32 s1, $0x2  }
0xb9: {  	s3 =	sand.u32 $0x4000, s31;
	s1 =	sadd.s32 s1, s30  }
0xba: {  	s0 =	sor.u32 s3, s0;
	s1 =	sshll.u32 s1, $0x11  }
0xbb: {  	s0 =	sor.u32 s1, s0  }
0xbc: {  	s0 =	sadd.s32 $0x8F2B, s0  }
0xbd: {  	[sflag:s0] =	ssyncadd.remote.s32 $0x1  }
0xbe: {  	_ =	sfence.sel $0xFFFF  }
0xbf: {  	[dreg:$0x0] =	wrdreg $0xFFFFFFFF;
	(pc) =	sbr.abs _section_cstart, $3  }
0xc0: {  	[dreg:$0x1] =	wrdreg $0xFFFFFFFF  }
0xc1: {  	_ =	task.clear_ibuf [dreg:s7], $0x2FFFF;
	_ =	strace $0x9FFFFFFF  }
0xc2: {  	(tm) =	ssettm $0x7FFFFFFF  }
0xc3: {  	_ =	shalt  }
tec
execute0_lowered:
.L_overlay_start_1:
0x0: {  	(tag) =	ssettag $0x1  }
0x1: {  	s1 =	srdreg.scid  }
0x2: {  	s0 =	stileid.u32;
	s6 =	rddreg [dreg:$0x0]  }
0x3: {  	s4 =	rddreg [dreg:$0x1];
	s18 =	simm.s32 $0x880;
	s19 =	simm.s32 $0x1080  }
0x4: {  	s20 =	simm.s32 $0x1880;
	s22 =	simm.s32 $0x2080;
	s23 =	simm.s32 $0x2880  }
0x5: {  	s7 =	simm.s32 $0x3080;
	s24 =	simm.s32 $0x3880;
	s8 =	simm.s32 $0x4080  }
0x6: {  	s25 =	simm.s32 $0x4880;
	s26 =	simm.s32 $0x5080;
	s1 =	sand.u32 $0x1, s1  }
0x7: {  	s9 =	simm.s32 $0x80;
	s2 =	sshll.u32 s0, $0x7;
	s3 =	sshll.u32 s1, $0x6  }
0x8: {  	s11 =	simm.s32 $0x6080;
	s3 =	sor.u32 s3, s2;
	s2 =	simm.s32 $0x0  }
0x9: {  	s12 =	simm.s32 $0x6880;
	s13 =	simm.s32 $0x7080;
	[smem:$0x7FF] =	sst s2  }
0xa: {  	s14 =	simm.s32 $0x7880;
	_ =	strace $0x8000004A;
	[dreg:$0x5] =	wrdreg s18  }
0xb: {  	s15 =	simm.s32 $0x8080;
	s16 =	simm.s32 $0x8880;
	[dreg:$0x6] =	wrdreg s19  }
0xc: {  	s17 =	simm.s32 $0x9080;
	s28 =	simm.s32 $0xE080;
	[dreg:$0x7] =	wrdreg s20  }
0xd: {  	s29 =	simm.s32 $0xE880;
	s30 =	simm.s32 $0xF080;
	[dreg:$0x8] =	wrdreg s22  }
0xe: {  	s31 =	simm.s32 $0xF880;
	s1 =	ssub.s32 $0x2, s1;
	[dreg:$0x9] =	wrdreg s23  }
0xf: {  	s21 =	sshrl.u32 s1, $0x1;
	s5 =	sshrl.u32 s3, $0x3;
	[dreg:$0xa] =	wrdreg s7  }
0x10: {  	s3 =	sshll.u32 s3, $0x7;
	s1 =	ssub.s32 s1, s21;
	[dreg:$0xb] =	wrdreg s24  }
0x11: {  	s21 =	simm.s32 $0xB080;
	s5 =	sadd.s32 s5, s6;
	[dreg:$0xc] =	wrdreg s8  }
0x12: {  	s3 =	sadd.s32 s4, s3;
	s4 =	sadd.s32 $0x1500, s6;
	[dreg:$0xd] =	wrdreg s25  }
0x13: {  	s7 =	smax.u32 s1, $0x1;
	s8 =	simm.s32 $0x2;
	[dreg:$0xe] =	wrdreg s26  }
0x14: {  	s18 =	simm.s32 $0x9880;
	s19 =	simm.s32 $0xA080;
	s20 =	simm.s32 $0xA880  }
0x15: {  	s22 =	simm.s32 $0xB880;
	s23 =	simm.s32 $0xC080;
	s24 =	simm.s32 $0xC880  }
0x16: {  	v2 =	vlaneseq.u32;
	s25 =	simm.s32 $0xD080;
	s26 =	simm.s32 $0xD880;
	s1 =	simm.s32 $0x1  }
0x17: {  	vm0 =	vmmov $0xffff;
	v1 =	vshrl.u32 v2, $0x3;
	s5 =	sadd.s32 $0x1200, s5;
	[dreg:$0x4] =	wrdreg s3;
	s3 =	sadd.s32 $0x1400, s6  }
0x18: {  	v0 =	vand.u32 $0x7, v2;
	v2 =	vor.u32 $0x8, v2;
	v1 =	vmul.u32 $0x8, v1;
	[dreg:$0x3] =	wrdreg s5;
	s5 =	sadd.s32 $0x1600, s6;
	s6 =	sadd.s32 $0x1700, s6  }
.LBB2_1:
0x19: {  	s0 =	rddreg [dreg:$0x3]  }
0x1a: {  	[tilespmem:s2], [sflag:$0x2] =	stream.linear.gather [hbm4b:s0+s2], $0x40, $0x38;
	[tilespmem:$0x10080] =	vst v63  }
0x1b: {  	_ =	swait.ge [sflag:s8], $0x40  }
0x1c: {  	[sflag:s8] =	ssyncset.done $0x0  }
0x1d: {  	[sflag:s8] =	ssyncadd.s32 $0xFFFFFFC0  }
0x1e: {  	v3 =	vld [tilespmem:$0x0];
	_ =	sdelay $0x4  }
0x1f: {  	v4 =	vshll.u32 v3, $0x3  }
0x20: {  	v3 =	vand.u32 $0x7, v3;
	v4 =	vand.u32 $0xFFFFFFC0, v4  }
0x21: {  	v3 =	vor.u32 v3, v4  }
0x22: {  	v4 =	vperm.xlane v3, v0;
	_ =	sdelay $0x1  }
0x23: {  	v4 =	vadd.s32 v1, v4;
	_ =	sdelay $0x4  }
0x24: {  	[tilespmem:s9], [sflag:$0x1] =	stream.indirect_vreg.gather [hbm4b:s3+s2], $0x80, v4, vm0, $0xb8;
	[tilespmem:$0x10080] =	vst v63  }
0x25: {  	s0 =	rddreg [dreg:$0x5];
	v3 =	vperm.xlane v3, v2  }
0x26: {  	[tilespmem:s0], [sflag:$0x1] =	stream.indirect_vreg.gather [hbm4b:s4+s2], $0x80, v4, vm0, $0xb8;
	[tilespmem:$0x10080] =	vst v63  }
0x27: {  	s10 =	rddreg [dreg:$0x6];
	v3 =	vadd.s32 v1, v3  }
0x28: {  	[tilespmem:s10], [sflag:$0x1] =	stream.indirect_vreg.gather [hbm4b:s5+s2], $0x80, v4, vm0, $0xb8;
	[tilespmem:$0x10080] =	vst v63  }
0x29: {  	s0 =	rddreg [dreg:$0x7]  }
0x2a: {  	[tilespmem:s0], [sflag:$0x1] =	stream.indirect_vreg.gather [hbm4b:s6+s2], $0x80, v4, vm0, $0xb8;
	[tilespmem:$0x10080] =	vst v63  }
0x2b: {  	s10 =	rddreg [dreg:$0x8]  }
0x2c: {  	[tilespmem:s10], [sflag:$0x1] =	stream.indirect_vreg.gather [hbm4b:s3+s2], $0x80, v3, vm0, $0xb8;
	[tilespmem:$0x10080] =	vst v63  }
0x2d: {  	s0 =	rddreg [dreg:$0x9]  }
0x2e: {  	[tilespmem:s0], [sflag:$0x1] =	stream.indirect_vreg.gather [hbm4b:s4+s2], $0x80, v3, vm0, $0xb8;
	[tilespmem:$0x10080] =	vst v63  }
0x2f: {  	s10 =	rddreg [dreg:$0xa]  }
0x30: {  	[tilespmem:s10], [sflag:$0x1] =	stream.indirect_vreg.gather [hbm4b:s5+s2], $0x80, v3, vm0, $0xb8;
	[tilespmem:$0x10080] =	vst v63  }
0x31: {  	s0 =	rddreg [dreg:$0xb]  }
0x32: {  	[tilespmem:s0], [sflag:$0x1] =	stream.indirect_vreg.gather [hbm4b:s6+s2], $0x80, v3, vm0, $0xb8;
	[tilespmem:$0x10080] =	vst v63  }
0x33: {  	v3 =	vld [tilespmem:$0x10];
	_ =	sdelay $0x4  }
0x34: {  	v61 =	vshll.u32 v3, $0x3  }
0x35: {  	v3 =	vand.u32 $0x7, v3;
	v4 =	vand.u32 $0xFFFFFFC0, v61  }
0x36: {  	v3 =	vor.u32 v3, v4  }
0x37: {  	v4 =	vperm.xlane v3, v0;
	_ =	sdelay $0x1  }
0x38: {  	v4 =	vadd.s32 v1, v4;
	_ =	sdelay $0x3  }
0x39: {  	s0 =	rddreg [dreg:$0xc]  }
0x3a: {  	[tilespmem:s0], [sflag:$0x1] =	stream.indirect_vreg.gather [hbm4b:s3+s2], $0x80, v4, vm0, $0xb8;
	[tilespmem:$0x10080] =	vst v63  }
0x3b: {  	s10 =	rddreg [dreg:$0xd];
	v3 =	vperm.xlane v3, v2  }
0x3c: {  	[tilespmem:s10], [sflag:$0x1] =	stream.indirect_vreg.gather [hbm4b:s4+s2], $0x80, v4, vm0, $0xb8;
	[tilespmem:$0x10080] =	vst v63  }
0x3d: {  	v3 =	vadd.s32 v1, v3;
	s0 =	rddreg [dreg:$0xe]  }
0x3e: {  	[tilespmem:s0], [sflag:$0x1] =	stream.indirect_vreg.gather [hbm4b:s5+s2], $0x80, v4, vm0, $0xb8;
	[tilespmem:$0x10080] =	vst v63  }
0x3f: {  	s10 =	simm.s32 $0x5880  }
0x40: {  	[tilespmem:s10], [sflag:$0x1] =	stream.indirect_vreg.gather [hbm4b:s6+s2], $0x80, v4, vm0, $0xb8;
	[tilespmem:$0x10080] =	vst v63  }
0x41: {  	_ = 	snop  }
0x42: {  	[tilespmem:s11], [sflag:$0x1] =	stream.indirect_vreg.gather [hbm4b:s3+s2], $0x80, v3, vm0, $0xb8;
	[tilespmem:$0x10080] =	vst v63  }
0x43: {  	_ = 	snop  }
0x44: {  	[tilespmem:s12], [sflag:$0x1] =	stream.indirect_vreg.gather [hbm4b:s4+s2], $0x80, v3, vm0, $0xb8;
	[tilespmem:$0x10080] =	vst v63  }
0x45: {  	_ = 	snop  }
0x46: {  	[tilespmem:s13], [sflag:$0x1] =	stream.indirect_vreg.gather [hbm4b:s5+s2], $0x80, v3, vm0, $0xb8;
	[tilespmem:$0x10080] =	vst v63  }
0x47: {  	_ = 	snop  }
0x48: {  	[tilespmem:s14], [sflag:$0x1] =	stream.indirect_vreg.gather [hbm4b:s6+s2], $0x80, v3, vm0, $0xb8;
	[tilespmem:$0x10080] =	vst v63  }
0x49: {  	v3 =	vld [tilespmem:$0x20];
	_ =	sdelay $0x4  }
0x4a: {  	v62 =	vshll.u32 v3, $0x3  }
0x4b: {  	v3 =	vand.u32 $0x7, v3;
	v4 =	vand.u32 $0xFFFFFFC0, v62  }
0x4c: {  	v3 =	vor.u32 v3, v4  }
0x4d: {  	v4 =	vperm.xlane v3, v0;
	_ =	sdelay $0x1  }
0x4e: {  	v4 =	vadd.s32 v1, v4;
	_ =	sdelay $0x4  }
0x4f: {  	[tilespmem:s15], [sflag:$0x1] =	stream.indirect_vreg.gather [hbm4b:s3+s2], $0x80, v4, vm0, $0xb8;
	[tilespmem:$0x10080] =	vst v63  }
0x50: {  	v3 =	vperm.xlane v3, v2  }
0x51: {  	[tilespmem:s16], [sflag:$0x1] =	stream.indirect_vreg.gather [hbm4b:s4+s2], $0x80, v4, vm0, $0xb8;
	[tilespmem:$0x10080] =	vst v63  }
0x52: {  	v3 =	vadd.s32 v1, v3  }
0x53: {  	[tilespmem:s17], [sflag:$0x1] =	stream.indirect_vreg.gather [hbm4b:s5+s2], $0x80, v4, vm0, $0xb8;
	[tilespmem:$0x10080] =	vst v63  }
0x54: {  	_ = 	snop  }
0x55: {  	[tilespmem:s18], [sflag:$0x1] =	stream.indirect_vreg.gather [hbm4b:s6+s2], $0x80, v4, vm0, $0xb8;
	[tilespmem:$0x10080] =	vst v63  }
0x56: {  	_ = 	snop  }
0x57: {  	[tilespmem:s19], [sflag:$0x1] =	stream.indirect_vreg.gather [hbm4b:s3+s2], $0x80, v3, vm0, $0xb8;
	[tilespmem:$0x10080] =	vst v63  }
0x58: {  	_ = 	snop  }
0x59: {  	[tilespmem:s20], [sflag:$0x1] =	stream.indirect_vreg.gather [hbm4b:s4+s2], $0x80, v3, vm0, $0xb8;
	[tilespmem:$0x10080] =	vst v63  }
0x5a: {  	_ = 	snop  }
0x5b: {  	[tilespmem:s21], [sflag:$0x1] =	stream.indirect_vreg.gather [hbm4b:s5+s2], $0x80, v3, vm0, $0xb8;
	[tilespmem:$0x10080] =	vst v63  }
0x5c: {  	_ = 	snop  }
0x5d: {  	[tilespmem:s22], [sflag:$0x1] =	stream.indirect_vreg.gather [hbm4b:s6+s2], $0x80, v3, vm0, $0xb8;
	[tilespmem:$0x10080] =	vst v63  }
0x5e: {  	v3 =	vld [tilespmem:$0x30];
	_ =	sdelay $0x4  }
0x5f: {  	v63 =	vshll.u32 v3, $0x3  }
0x60: {  	v3 =	vand.u32 $0x7, v3;
	v4 =	vand.u32 $0xFFFFFFC0, v63  }
0x61: {  	v3 =	vor.u32 v3, v4  }
0x62: {  	v4 =	vperm.xlane v3, v0;
	_ =	sdelay $0x1  }
0x63: {  	v4 =	vadd.s32 v1, v4;
	_ =	sdelay $0x4  }
0x64: {  	[tilespmem:s23], [sflag:$0x1] =	stream.indirect_vreg.gather [hbm4b:s3+s2], $0x80, v4, vm0, $0xb8;
	[tilespmem:$0x10080] =	vst v63  }
0x65: {  	v3 =	vperm.xlane v3, v2  }
0x66: {  	[tilespmem:s24], [sflag:$0x1] =	stream.indirect_vreg.gather [hbm4b:s4+s2], $0x80, v4, vm0, $0xb8;
	[tilespmem:$0x10080] =	vst v63  }
0x67: {  	v3 =	vadd.s32 v1, v3  }
0x68: {  	[tilespmem:s25], [sflag:$0x1] =	stream.indirect_vreg.gather [hbm4b:s5+s2], $0x80, v4, vm0, $0xb8;
	[tilespmem:$0x10080] =	vst v63  }
0x69: {  	_ = 	snop  }
0x6a: {  	[tilespmem:s26], [sflag:$0x1] =	stream.indirect_vreg.gather [hbm4b:s6+s2], $0x80, v4, vm0, $0xb8;
	[tilespmem:$0x10080] =	vst v63  }
0x6b: {  	_ = 	snop  }
0x6c: {  	[tilespmem:s28], [sflag:$0x1] =	stream.indirect_vreg.gather [hbm4b:s3+s2], $0x80, v3, vm0, $0xb8;
	[tilespmem:$0x10080] =	vst v63  }
0x6d: {  	_ = 	snop  }
0x6e: {  	[tilespmem:s29], [sflag:$0x1] =	stream.indirect_vreg.gather [hbm4b:s4+s2], $0x80, v3, vm0, $0xb8;
	[tilespmem:$0x10080] =	vst v63  }
0x6f: {  	_ = 	snop  }
0x70: {  	[tilespmem:s30], [sflag:$0x1] =	stream.indirect_vreg.gather [hbm4b:s5+s2], $0x80, v3, vm0, $0xb8;
	[tilespmem:$0x10080] =	vst v63  }
0x71: {  	_ = 	snop  }
0x72: {  	[tilespmem:s31], [sflag:$0x1] =	stream.indirect_vreg.gather [hbm4b:s6+s2], $0x80, v3, vm0, $0xb8;
	[tilespmem:$0x10080] =	vst v63  }
0x73: {  	_ =	swait.ge [sflag:s1], $0x10000  }
0x74: {  	p0 =	sne.s32 s7, $0x1;
	[sflag:s1] =	ssyncset.done $0x0  }
.Ltmp0:
0x75: {  	s10 =	rddreg [dreg:$0x4];
	[sflag:s1] =	ssyncadd.s32 $0xFFFF0000;
	(pc) =	sbr.rel @p0 .LBB2_1-.Ltmp0, $4  }
0x76: {  	[hbm4b:s10+s2] =	stream.linear.scatter [tilespmem:s9], [sflag:$0x2], $0x10000, $0x38;
	[tilespmem:$0x10080] =	vst v63  }
0x77: {  	_ =	swait.ge [sflag:s8], $0x10000  }
0x78: {  	[sflag:s8] =	ssyncset.done $0x0  }
0x79: {  	s7 =	sadd.s32 $0xFFFFFFFF, s7;
	[sflag:s8] =	ssyncadd.s32 $0xFFFF0000  }
0x7a: {  	_ =	sfence.sel $0x180000  }
0x7b: {  	[bflag:$0x0] =	sbarrier.arrive $0xFFFF  }
0x7c: {  	_ =	strace $0x9000004A  }
0x7d: {  	s0 =	stileid.u32;
	[bflag:$0x2] =	sbarrier.arrive $0xFFFF  }
0x7e: {  	p0 =	sne.s32 s0, $0x0;
	s0 =	rddreg [dreg:$0x2]  }
0x7f: {  	s0 =	sadd.s32 @!p0 $0x100000, s0  }
0x80: {  	[sflag:s0] =	ssyncadd.tile.s32 @!p0 $0x1;
	_ =	shalt  }
.Lfunc_end2:
_tile_overlayer_lowered:
.L_overlay_start_2:
0x81: {  	(tag) =	ssettag $0x2  }
0x82: {  	s0 =	rddreg [dreg:$0x0];
	s2 =	stileid.u32  }
0x83: {  	s1 =	rddreg [dreg:$0x1];
	p0 =	sne.s32 s2, $0x0  }
0x84: {  	s3 =	rddreg [dreg:$0x2];
	[bflag:$0x3] =	sbarrier.arrive $0xFFFF;
	s2 =	simm.s32 @!p0 $0x1C02  }
0x85: {  	[timem:s3], [sflag:s2] =	dma.local @!p0 [hbm:s0], s1  }
0x86: {  	s0 =	simm.s32 @!p0 $0x2  }
0x87: {  	_ =	swait.ge @!p0 [sflag:s0], s1  }
0x88: {  	s1 =	ssub.s32 @!p0 $0x0, s1;
	[sflag:s0] =	ssyncset.done @!p0 $0x0  }
0x89: {  	[sflag:s0] =	ssyncadd.s32 @!p0 s1  }
0x8a: {  	[bflag:$0x3] =	sbarrier.arrive $0xFFFF  }
0x8b: {  	_ =	shalt  }

</sc_bundles>
